<compile_context>
chip_gen: v7x
topology: tpu7x:2x2x1
jax: 0.10.2.dev20260603
libtpu: 0.0.44.dev20260713+nightly
codegen_flags: <defaults>
</compile_context>

<pallas_src>
import functools

import jax
import jax.numpy as jnp
from jax import lax
from jax.experimental import pallas as pl
from jax.experimental.pallas import tpu as pltpu
from jax.experimental.pallas import tpu_sc as plsc

_EMB_DIM = 64
_WIDE = 128
_NC, _NS = 2, 16
_NW = _NC * _NS
_CHUNK = 128


def _transform_table(table_t, w, b):
    v = table_t.shape[1]
    v_pad = -8 * (-v // 8)
    blk = 16384
    grid = (v_pad + blk - 1) // blk
    wp = jnp.pad(w, ((0, _WIDE - _EMB_DIM), (0, 0)))
    bp = jnp.pad(b, (0, _WIDE - _EMB_DIM)).reshape(1, _WIDE)

    def body(x_ref, w_ref, b_ref, o_ref):
        o_ref[...] = lax.dot_general(
            x_ref[...], w_ref[...],
            (((0,), (1,)), ((), ())),
            preferred_element_type=jnp.float32,
        ) + b_ref[...]

    return pl.pallas_call(
        body,
        grid=(grid,),
        in_specs=[
            pl.BlockSpec((_EMB_DIM, blk), lambda i: (0, i)),
            pl.BlockSpec((_WIDE, _EMB_DIM), lambda i: (0, 0)),
            pl.BlockSpec((1, _WIDE), lambda i: (0, 0)),
        ],
        out_specs=pl.BlockSpec((blk, _WIDE), lambda i: (i, 0)),
        out_shape=jax.ShapeDtypeStruct((v_pad, _WIDE), jnp.float32),
    )(table_t, wp, bp)


def _gather_rows(table, gids, n_chunks, n_rows):
    per_w = n_chunks * _CHUNK
    mesh = plsc.VectorSubcoreMesh(core_axis_name="c", subcore_axis_name="s")

    nbuf = 4

    @functools.partial(
        pl.kernel,
        mesh=mesh,
        out_type=jax.ShapeDtypeStruct((n_rows, _WIDE), jnp.float32),
        scratch_types=[
            pltpu.VMEM((per_w,), jnp.int32),
            pltpu.VMEM((nbuf, _CHUNK, _WIDE), jnp.float32),
            pltpu.SemaphoreType.DMA,
            pltpu.SemaphoreType.DMA,
            pltpu.SemaphoreType.DMA,
            pltpu.SemaphoreType.DMA,
        ],
        compiler_params=pltpu.CompilerParams(use_tc_tiling_on_sc=False),
    )
    def k(tbl_hbm, gids_hbm, out_hbm, idx_v, rows_v, sem0, sem1, sem2, sem3):
        wid = lax.axis_index("s") * _NC + lax.axis_index("c")
        base = wid * per_w
        base_c = jnp.minimum(base, n_rows - per_w)
        pltpu.sync_copy(gids_hbm.at[pl.ds(base_c, per_w)], idx_v)
        sems = (sem0, sem1, sem2, sem3)

        def off_of(j):
            return jnp.minimum(base + j * _CHUNK, n_rows - _CHUNK)

        def gather_desc(j, buf):
            idx = idx_v.at[pl.ds(off_of(j) - base_c, _CHUNK)]
            return pltpu.make_async_copy(
                tbl_hbm.at[idx], rows_v.at[buf], sems[buf])

        def write(j, buf):
            pltpu.sync_copy(
                rows_v.at[buf], out_hbm.at[pl.ds(off_of(j), _CHUNK)])

        for j in range(min(nbuf - 1, n_chunks)):
            gather_desc(j, j).start()
        pre = (n_chunks - (nbuf - 1)) % nbuf
        for j in range(pre):
            nxt = j + nbuf - 1
            if nxt < n_chunks:
                gather_desc(nxt, nxt % nbuf).start()
            gather_desc(j, j % nbuf).wait()
            write(j, j % nbuf)
        n_main = max(n_chunks - (nbuf - 1) - pre, 0) // nbuf

        def body(g, carry):
            jb = pre + g * nbuf
            for s in range(nbuf):
                j = jb + s
                buf = (pre + s) % nbuf
                gather_desc(j + nbuf - 1, (buf + nbuf - 1) % nbuf).start()
                gather_desc(j, buf).wait()
                write(j, buf)
            return carry

        if n_main > 0:
            lax.fori_loop(0, n_main, body, 0)
        for j in range(pre + nbuf * n_main, n_chunks):
            gather_desc(j, j % nbuf).wait()
            write(j, j % nbuf)

    return k(table, gids)


def _transpose_out(wide, n_rows):
    blk = 16384
    grid = (n_rows + blk - 1) // blk
    eye = jnp.eye(_EMB_DIM, dtype=jnp.float32)

    def body(e_ref, x_ref, o_ref):
        o_ref[...] = lax.dot_general(
            e_ref[...], x_ref[:, : _EMB_DIM],
            (((1,), (1,)), ((), ())),
            preferred_element_type=jnp.float32,
        )

    return pl.pallas_call(
        body,
        grid=(grid,),
        in_specs=[
            pl.BlockSpec((_EMB_DIM, _EMB_DIM), lambda i: (0, 0)),
            pl.BlockSpec((blk, _WIDE), lambda i: (i, 0)),
        ],
        out_specs=pl.BlockSpec((_EMB_DIM, blk), lambda i: (0, i)),
        out_shape=jax.ShapeDtypeStruct((_EMB_DIM, n_rows), jnp.float32),
    )(eye, wide)


def kernel(ids, adj, layer_idx, emb_table, fc_w, fc_b):
    del adj
    n_nodes = emb_table.shape[0] - 1
    b = ids.shape[0]
    t = _transform_table(emb_table.T, fc_w, fc_b)
    gids = jnp.where(layer_idx > 0, ids, n_nodes).astype(jnp.int32)
    n_chunks = -(-b // (_NW * _CHUNK))
    wide = _gather_rows(t, gids, n_chunks, b)
    return _transpose_out(wide, b).T

# --- scband reference (transcript-rebuilt; emitter-appended) ---
"""Pipeline reference for scband-node-embedding-prep-11158325035268 (READ-ONLY COPY).

The authoritative reference and input builder live on the scoring server;
editing this copy changes nothing except your own understanding.
"""

import jax, jax.numpy as jnp
import numpy as np

N_NODES = 100000
EMB_DIM = 64


def setup_inputs(seed: int = 0) -> dict:
    key = jax.random.key(seed)
    k1, k2, k3, k4, k5 = jax.random.split(key, 5)
    ids = jax.random.randint(k1, (100000,), 0, N_NODES, dtype=jnp.int64 if jax.config.read('jax_enable_x64') else jnp.int32)
    adj = jax.random.randint(k2, (100000, 16), 0, N_NODES, dtype=jnp.int64 if jax.config.read('jax_enable_x64') else jnp.int32)
    emb_table = jax.random.normal(k3, (N_NODES + 1, EMB_DIM), dtype=jnp.float32)
    fc_w = jax.random.normal(k4, (EMB_DIM, EMB_DIM), dtype=jnp.float32) * (1.0 / np.sqrt(EMB_DIM))
    fc_b = jax.random.normal(k5, (EMB_DIM,), dtype=jnp.float32) * 0.01
    return {"ids": ids, "adj": adj, "layer_idx": 1, "emb_table": emb_table, "fc_w": fc_w, "fc_b": fc_b}


def reference(ids, adj, layer_idx, emb_table, fc_w, fc_b):
    # Faithful translation of NodeEmbeddingPrep.forward.
    # adj is accepted but unused, exactly as in the torch module.
    const_ids = jnp.zeros_like(ids) + N_NODES
    gather_ids = jnp.where(layer_idx > 0, ids, const_ids)
    embs = jnp.take(emb_table, gather_ids, axis=0)
    # nn.Linear: x @ W.T + b
    return embs @ fc_w.T + fc_b

if __name__ == "__main__":
    import jax
    _d = setup_inputs()
    print(jax.jit(kernel)(*tuple(_d.values())))

</pallas_src>

<mosaic_0001>
#map = affine_map<(d0, d1) -> (0, 0)>
#map1 = affine_map<(d0, d1) -> (0)>
module attributes {stable_mosaic.version = 14 : i64} {
  func.func @k(%arg0: i32, %arg1: i32, %arg2: memref<100008x128xf32, #tpu.memory_space<hbm>>, %arg3: memref<100000xi32, #tpu.memory_space<hbm>>, %arg4: memref<100000x128xf32, #tpu.memory_space<hbm>>, %arg5: memref<3200xi32, #tpu.memory_space<vmem>>, %arg6: memref<4x128x128xf32, #tpu.memory_space<vmem>>, %arg7: memref<!tpu.dma_semaphore, #tpu.memory_space<semaphore_mem>>, %arg8: memref<!tpu.dma_semaphore, #tpu.memory_space<semaphore_mem>>, %arg9: memref<!tpu.dma_semaphore, #tpu.memory_space<semaphore_mem>>, %arg10: memref<!tpu.dma_semaphore, #tpu.memory_space<semaphore_mem>>) attributes {dimension_semantics = [#tpu.dimension_semantics<core_parallel>, #tpu.dimension_semantics<subcore_parallel>], iteration_bounds = array<i64: 2, 16>, scalar_prefetch = 0 : i64, scratch_operands = 6 : i64, tpu.core_type = #tpu.core_type<sc_vector_subcore>, window_params = [{transform_indices = #map}, {transform_indices = #map1}, {transform_indices = #map}]} {
    %mul3A = arith.constant 2 : i32
    %mul3A_0 = arith.muli %arg1, %mul3A : i32
    %add3A = arith.addi %mul3A_0, %arg0 : i32
    %mul3A_1 = arith.constant 3200 : i32
    %mul3A_2 = arith.muli %add3A, %mul3A_1 : i32
    %min3A = arith.constant 96800 : i32
    %min3A_3 = arith.minsi %mul3A_2, %min3A : i32
    "tpu.region"() ({
      %run_scoped3A_170 = tpu.sem_alloc : memref<!tpu.dma_semaphore, #tpu.memory_space<semaphore_mem>>
      %dma_start3A_171 = tpu.memref_slice %arg3[%min3A_3] : memref<100000xi32, #tpu.memory_space<hbm>> -> memref<3200xi32, #tpu.memory_space<hbm>>
      %dma_start3A_172 = tpu.memref_slice %arg3[%min3A_3] : memref<100000xi32, #tpu.memory_space<hbm>> -> memref<3200xi32, #tpu.memory_space<hbm>>
      tpu.enqueue_dma source(%dma_start3A_172 : memref<3200xi32, #tpu.memory_space<hbm>>) target(%arg5 : memref<3200xi32, #tpu.memory_space<vmem>>) target_semaphore(%run_scoped3A_170 : memref<!tpu.dma_semaphore, #tpu.memory_space<semaphore_mem>>)
      %dma_wait3A_173 = tpu.memref_slice %arg3[%min3A_3] : memref<100000xi32, #tpu.memory_space<hbm>> -> memref<3200xi32, #tpu.memory_space<hbm>>
      %dma_wait3A_174 = tpu.memref_slice %arg3[%min3A_3] : memref<100000xi32, #tpu.memory_space<hbm>> -> memref<3200xi32, #tpu.memory_space<hbm>>
      tpu.wait_dma2 semaphore(%run_scoped3A_170 : memref<!tpu.dma_semaphore, #tpu.memory_space<semaphore_mem>>) src(%dma_wait3A_174 : memref<3200xi32, #tpu.memory_space<hbm>>) dst(%arg5 : memref<3200xi32, #tpu.memory_space<vmem>>)
      tpu.yield
    }) : () -> ()
    %add3A_4 = arith.constant 0 : i32
    %add3A_5 = arith.addi %mul3A_2, %add3A_4 : i32
    %min3A_6 = arith.constant 99872 : i32
    %min3A_7 = arith.minsi %add3A_5, %min3A_6 : i32
    %sub3A = arith.subi %min3A_7, %min3A_3 : i32
    %dma_start3A = arith.constant 0 : i32
    %dma_start3A_8 = arith.constant 0 : i32
    %dma_start3A_9 = arith.constant 0 : i32
    %dma_start3A_10 = tpu.memref_slice %arg6[%dma_start3A, %dma_start3A_8, %dma_start3A_9] : memref<4x128x128xf32, #tpu.memory_space<vmem>> -> memref<1x128x128xf32, #tpu.memory_space<vmem>>
    %dma_start3A_11 = tpu.memref_squeeze %dma_start3A_10 : memref<1x128x128xf32, #tpu.memory_space<vmem>> -> memref<128x128xf32, #tpu.memory_space<vmem>>
    %dma_start3A_12 = tpu.memref_slice %arg5[%sub3A] : memref<3200xi32, #tpu.memory_space<vmem>> -> memref<128xi32, #tpu.memory_space<vmem>>
    %dma_start3A_13 = arith.constant 0 : i32
    %dma_start3A_14 = arith.constant 0 : i32
    %dma_start3A_15 = tpu.memref_slice %arg2[%dma_start3A_13, %dma_start3A_14] : memref<100008x128xf32, #tpu.memory_space<hbm>> -> memref<100008x128xf32, #tpu.memory_space<hbm>>
    tpu.enqueue_indirect_dma source(%dma_start3A_15 : memref<100008x128xf32, #tpu.memory_space<hbm>>) target(%dma_start3A_11 : memref<128x128xf32, #tpu.memory_space<vmem>>) offsets(%dma_start3A_12 : memref<128xi32, #tpu.memory_space<vmem>>) semaphore(%arg7 : memref<!tpu.dma_semaphore, #tpu.memory_space<semaphore_mem>>)
    %add3A_16 = arith.constant 128 : i32
    %add3A_17 = arith.addi %mul3A_2, %add3A_16 : i32
    %min3A_18 = arith.constant 99872 : i32
    %min3A_19 = arith.minsi %add3A_17, %min3A_18 : i32
    %sub3A_20 = arith.subi %min3A_19, %min3A_3 : i32
    %dma_start3A_21 = arith.constant 1 : i32
    %dma_start3A_22 = arith.constant 0 : i32
    %dma_start3A_23 = arith.constant 0 : i32
    %dma_start3A_24 = tpu.memref_slice %arg6[%dma_start3A_21, %dma_start3A_22, %dma_start3A_23] : memref<4x128x128xf32, #tpu.memory_space<vmem>> -> memref<1x128x128xf32, #tpu.memory_space<vmem>>
    %dma_start3A_25 = tpu.memref_squeeze %dma_start3A_24 : memref<1x128x128xf32, #tpu.memory_space<vmem>> -> memref<128x128xf32, #tpu.memory_space<vmem>>
    %dma_start3A_26 = tpu.memref_slice %arg5[%sub3A_20] : memref<3200xi32, #tpu.memory_space<vmem>> -> memref<128xi32, #tpu.memory_space<vmem>>
    %dma_start3A_27 = arith.constant 0 : i32
    %dma_start3A_28 = arith.constant 0 : i32
    %dma_start3A_29 = tpu.memref_slice %arg2[%dma_start3A_27, %dma_start3A_28] : memref<100008x128xf32, #tpu.memory_space<hbm>> -> memref<100008x128xf32, #tpu.memory_space<hbm>>
    tpu.enqueue_indirect_dma source(%dma_start3A_29 : memref<100008x128xf32, #tpu.memory_space<hbm>>) target(%dma_start3A_25 : memref<128x128xf32, #tpu.memory_space<vmem>>) offsets(%dma_start3A_26 : memref<128xi32, #tpu.memory_space<vmem>>) semaphore(%arg8 : memref<!tpu.dma_semaphore, #tpu.memory_space<semaphore_mem>>)
    %add3A_30 = arith.constant 256 : i32
    %add3A_31 = arith.addi %mul3A_2, %add3A_30 : i32
    %min3A_32 = arith.constant 99872 : i32
    %min3A_33 = arith.minsi %add3A_31, %min3A_32 : i32
    %sub3A_34 = arith.subi %min3A_33, %min3A_3 : i32
    %dma_start3A_35 = arith.constant 2 : i32
    %dma_start3A_36 = arith.constant 0 : i32
    %dma_start3A_37 = arith.constant 0 : i32
    %dma_start3A_38 = tpu.memref_slice %arg6[%dma_start3A_35, %dma_start3A_36, %dma_start3A_37] : memref<4x128x128xf32, #tpu.memory_space<vmem>> -> memref<1x128x128xf32, #tpu.memory_space<vmem>>
    %dma_start3A_39 = tpu.memref_squeeze %dma_start3A_38 : memref<1x128x128xf32, #tpu.memory_space<vmem>> -> memref<128x128xf32, #tpu.memory_space<vmem>>
    %dma_start3A_40 = tpu.memref_slice %arg5[%sub3A_34] : memref<3200xi32, #tpu.memory_space<vmem>> -> memref<128xi32, #tpu.memory_space<vmem>>
    %dma_start3A_41 = arith.constant 0 : i32
    %dma_start3A_42 = arith.constant 0 : i32
    %dma_start3A_43 = tpu.memref_slice %arg2[%dma_start3A_41, %dma_start3A_42] : memref<100008x128xf32, #tpu.memory_space<hbm>> -> memref<100008x128xf32, #tpu.memory_space<hbm>>
    tpu.enqueue_indirect_dma source(%dma_start3A_43 : memref<100008x128xf32, #tpu.memory_space<hbm>>) target(%dma_start3A_39 : memref<128x128xf32, #tpu.memory_space<vmem>>) offsets(%dma_start3A_40 : memref<128xi32, #tpu.memory_space<vmem>>) semaphore(%arg9 : memref<!tpu.dma_semaphore, #tpu.memory_space<semaphore_mem>>)
    %add3A_44 = arith.constant 384 : i32
    %add3A_45 = arith.addi %mul3A_2, %add3A_44 : i32
    %min3A_46 = arith.constant 99872 : i32
    %min3A_47 = arith.minsi %add3A_45, %min3A_46 : i32
    %sub3A_48 = arith.subi %min3A_47, %min3A_3 : i32
    %dma_start3A_49 = arith.constant 3 : i32
    %dma_start3A_50 = arith.constant 0 : i32
    %dma_start3A_51 = arith.constant 0 : i32
    %dma_start3A_52 = tpu.memref_slice %arg6[%dma_start3A_49, %dma_start3A_50, %dma_start3A_51] : memref<4x128x128xf32, #tpu.memory_space<vmem>> -> memref<1x128x128xf32, #tpu.memory_space<vmem>>
    %dma_start3A_53 = tpu.memref_squeeze %dma_start3A_52 : memref<1x128x128xf32, #tpu.memory_space<vmem>> -> memref<128x128xf32, #tpu.memory_space<vmem>>
    %dma_start3A_54 = tpu.memref_slice %arg5[%sub3A_48] : memref<3200xi32, #tpu.memory_space<vmem>> -> memref<128xi32, #tpu.memory_space<vmem>>
    %dma_start3A_55 = arith.constant 0 : i32
    %dma_start3A_56 = arith.constant 0 : i32
    %dma_start3A_57 = tpu.memref_slice %arg2[%dma_start3A_55, %dma_start3A_56] : memref<100008x128xf32, #tpu.memory_space<hbm>> -> memref<100008x128xf32, #tpu.memory_space<hbm>>
    tpu.enqueue_indirect_dma source(%dma_start3A_57 : memref<100008x128xf32, #tpu.memory_space<hbm>>) target(%dma_start3A_53 : memref<128x128xf32, #tpu.memory_space<vmem>>) offsets(%dma_start3A_54 : memref<128xi32, #tpu.memory_space<vmem>>) semaphore(%arg10 : memref<!tpu.dma_semaphore, #tpu.memory_space<semaphore_mem>>)
    %add3A_58 = arith.constant 0 : i32
    %add3A_59 = arith.addi %mul3A_2, %add3A_58 : i32
    %min3A_60 = arith.constant 99872 : i32
    %min3A_61 = arith.minsi %add3A_59, %min3A_60 : i32
    %sub3A_62 = arith.subi %min3A_61, %min3A_3 : i32
    %dma_wait3A = arith.constant 0 : i32
    %dma_wait3A_63 = arith.constant 0 : i32
    %dma_wait3A_64 = arith.constant 0 : i32
    %dma_wait3A_65 = tpu.memref_slice %arg6[%dma_wait3A, %dma_wait3A_63, %dma_wait3A_64] : memref<4x128x128xf32, #tpu.memory_space<vmem>> -> memref<1x128x128xf32, #tpu.memory_space<vmem>>
    %dma_wait3A_66 = tpu.memref_squeeze %dma_wait3A_65 : memref<1x128x128xf32, #tpu.memory_space<vmem>> -> memref<128x128xf32, #tpu.memory_space<vmem>>
    %dma_wait3A_67 = tpu.memref_slice %arg5[%sub3A_62] : memref<3200xi32, #tpu.memory_space<vmem>> -> memref<128xi32, #tpu.memory_space<vmem>>
    %dma_wait3A_68 = arith.constant 0 : i32
    %dma_wait3A_69 = arith.constant 0 : i32
    %dma_wait3A_70 = tpu.memref_slice %arg2[%dma_wait3A_68, %dma_wait3A_69] : memref<100008x128xf32, #tpu.memory_space<hbm>> -> memref<100008x128xf32, #tpu.memory_space<hbm>>
    tpu.wait_indirect_dma semaphore(%arg7 : memref<!tpu.dma_semaphore, #tpu.memory_space<semaphore_mem>>) src(%dma_wait3A_70 : memref<100008x128xf32, #tpu.memory_space<hbm>>) dst(%dma_wait3A_66 : memref<128x128xf32, #tpu.memory_space<vmem>>)
    %add3A_71 = arith.constant 0 : i32
    %add3A_72 = arith.addi %mul3A_2, %add3A_71 : i32
    %min3A_73 = arith.constant 99872 : i32
    %min3A_74 = arith.minsi %add3A_72, %min3A_73 : i32
    %run_scoped3A = arith.constant 0 : i32
    "tpu.region"() ({
      %run_scoped3A_170 = tpu.sem_alloc : memref<!tpu.dma_semaphore, #tpu.memory_space<semaphore_mem>>
      %dma_start3A_171 = arith.constant 0 : i32
      %dma_start3A_172 = arith.constant 0 : i32
      %dma_start3A_173 = tpu.memref_slice %arg6[%run_scoped3A, %dma_start3A_171, %dma_start3A_172] : memref<4x128x128xf32, #tpu.memory_space<vmem>> -> memref<1x128x128xf32, #tpu.memory_space<vmem>>
      %dma_start3A_174 = tpu.memref_squeeze %dma_start3A_173 : memref<1x128x128xf32, #tpu.memory_space<vmem>> -> memref<128x128xf32, #tpu.memory_space<vmem>>
      %dma_start3A_175 = arith.constant 0 : i32
      %dma_start3A_176 = tpu.memref_slice %arg4[%min3A_74, %dma_start3A_175] : memref<100000x128xf32, #tpu.memory_space<hbm>> -> memref<128x128xf32, #tpu.memory_space<hbm>>
      %dma_start3A_177 = arith.constant 0 : i32
      %dma_start3A_178 = tpu.memref_slice %arg4[%min3A_74, %dma_start3A_177] : memref<100000x128xf32, #tpu.memory_space<hbm>> -> memref<128x128xf32, #tpu.memory_space<hbm>>
      %dma_start3A_179 = arith.constant 0 : i32
      %dma_start3A_180 = arith.constant 0 : i32
      %dma_start3A_181 = tpu.memref_slice %arg6[%run_scoped3A, %dma_start3A_179, %dma_start3A_180] : memref<4x128x128xf32, #tpu.memory_space<vmem>> -> memref<1x128x128xf32, #tpu.memory_space<vmem>>
      %dma_start3A_182 = tpu.memref_squeeze %dma_start3A_181 : memref<1x128x128xf32, #tpu.memory_space<vmem>> -> memref<128x128xf32, #tpu.memory_space<vmem>>
      tpu.enqueue_dma source(%dma_start3A_182 : memref<128x128xf32, #tpu.memory_space<vmem>>) target(%dma_start3A_178 : memref<128x128xf32, #tpu.memory_space<hbm>>) target_semaphore(%run_scoped3A_170 : memref<!tpu.dma_semaphore, #tpu.memory_space<semaphore_mem>>)
      %dma_wait3A_183 = arith.constant 0 : i32
      %dma_wait3A_184 = arith.constant 0 : i32
      %dma_wait3A_185 = tpu.memref_slice %arg6[%run_scoped3A, %dma_wait3A_183, %dma_wait3A_184] : memref<4x128x128xf32, #tpu.memory_space<vmem>> -> memref<1x128x128xf32, #tpu.memory_space<vmem>>
      %dma_wait3A_186 = tpu.memref_squeeze %dma_wait3A_185 : memref<1x128x128xf32, #tpu.memory_space<vmem>> -> memref<128x128xf32, #tpu.memory_space<vmem>>
      %dma_wait3A_187 = arith.constant 0 : i32
      %dma_wait3A_188 = tpu.memref_slice %arg4[%min3A_74, %dma_wait3A_187] : memref<100000x128xf32, #tpu.memory_space<hbm>> -> memref<128x128xf32, #tpu.memory_space<hbm>>
      %dma_wait3A_189 = arith.constant 0 : i32
      %dma_wait3A_190 = tpu.memref_slice %arg4[%min3A_74, %dma_wait3A_189] : memref<100000x128xf32, #tpu.memory_space<hbm>> -> memref<128x128xf32, #tpu.memory_space<hbm>>
      %dma_wait3A_191 = arith.constant 0 : i32
      %dma_wait3A_192 = arith.constant 0 : i32
      %dma_wait3A_193 = tpu.memref_slice %arg6[%run_scoped3A, %dma_wait3A_191, %dma_wait3A_192] : memref<4x128x128xf32, #tpu.memory_space<vmem>> -> memref<1x128x128xf32, #tpu.memory_space<vmem>>
      %dma_wait3A_194 = tpu.memref_squeeze %dma_wait3A_193 : memref<1x128x128xf32, #tpu.memory_space<vmem>> -> memref<128x128xf32, #tpu.memory_space<vmem>>
      tpu.wait_dma2 semaphore(%run_scoped3A_170 : memref<!tpu.dma_semaphore, #tpu.memory_space<semaphore_mem>>) src(%dma_wait3A_194 : memref<128x128xf32, #tpu.memory_space<vmem>>) dst(%dma_wait3A_190 : memref<128x128xf32, #tpu.memory_space<hbm>>)
      tpu.yield
    }) : () -> ()
    %add3A_75 = arith.constant 512 : i32
    %add3A_76 = arith.addi %mul3A_2, %add3A_75 : i32
    %min3A_77 = arith.constant 99872 : i32
    %min3A_78 = arith.minsi %add3A_76, %min3A_77 : i32
    %sub3A_79 = arith.subi %min3A_78, %min3A_3 : i32
    %dma_start3A_80 = arith.constant 0 : i32
    %dma_start3A_81 = arith.constant 0 : i32
    %dma_start3A_82 = arith.constant 0 : i32
    %dma_start3A_83 = tpu.memref_slice %arg6[%dma_start3A_80, %dma_start3A_81, %dma_start3A_82] : memref<4x128x128xf32, #tpu.memory_space<vmem>> -> memref<1x128x128xf32, #tpu.memory_space<vmem>>
    %dma_start3A_84 = tpu.memref_squeeze %dma_start3A_83 : memref<1x128x128xf32, #tpu.memory_space<vmem>> -> memref<128x128xf32, #tpu.memory_space<vmem>>
    %dma_start3A_85 = tpu.memref_slice %arg5[%sub3A_79] : memref<3200xi32, #tpu.memory_space<vmem>> -> memref<128xi32, #tpu.memory_space<vmem>>
    %dma_start3A_86 = arith.constant 0 : i32
    %dma_start3A_87 = arith.constant 0 : i32
    %dma_start3A_88 = tpu.memref_slice %arg2[%dma_start3A_86, %dma_start3A_87] : memref<100008x128xf32, #tpu.memory_space<hbm>> -> memref<100008x128xf32, #tpu.memory_space<hbm>>
    tpu.enqueue_indirect_dma source(%dma_start3A_88 : memref<100008x128xf32, #tpu.memory_space<hbm>>) target(%dma_start3A_84 : memref<128x128xf32, #tpu.memory_space<vmem>>) offsets(%dma_start3A_85 : memref<128xi32, #tpu.memory_space<vmem>>) semaphore(%arg7 : memref<!tpu.dma_semaphore, #tpu.memory_space<semaphore_mem>>)
    %add3A_89 = arith.constant 128 : i32
    %add3A_90 = arith.addi %mul3A_2, %add3A_89 : i32
    %min3A_91 = arith.constant 99872 : i32
    %min3A_92 = arith.minsi %add3A_90, %min3A_91 : i32
    %sub3A_93 = arith.subi %min3A_92, %min3A_3 : i32
    %dma_wait3A_94 = arith.constant 1 : i32
    %dma_wait3A_95 = arith.constant 0 : i32
    %dma_wait3A_96 = arith.constant 0 : i32
    %dma_wait3A_97 = tpu.memref_slice %arg6[%dma_wait3A_94, %dma_wait3A_95, %dma_wait3A_96] : memref<4x128x128xf32, #tpu.memory_space<vmem>> -> memref<1x128x128xf32, #tpu.memory_space<vmem>>
    %dma_wait3A_98 = tpu.memref_squeeze %dma_wait3A_97 : memref<1x128x128xf32, #tpu.memory_space<vmem>> -> memref<128x128xf32, #tpu.memory_space<vmem>>
    %dma_wait3A_99 = tpu.memref_slice %arg5[%sub3A_93] : memref<3200xi32, #tpu.memory_space<vmem>> -> memref<128xi32, #tpu.memory_space<vmem>>
    %dma_wait3A_100 = arith.constant 0 : i32
    %dma_wait3A_101 = arith.constant 0 : i32
    %dma_wait3A_102 = tpu.memref_slice %arg2[%dma_wait3A_100, %dma_wait3A_101] : memref<100008x128xf32, #tpu.memory_space<hbm>> -> memref<100008x128xf32, #tpu.memory_space<hbm>>
    tpu.wait_indirect_dma semaphore(%arg8 : memref<!tpu.dma_semaphore, #tpu.memory_space<semaphore_mem>>) src(%dma_wait3A_102 : memref<100008x128xf32, #tpu.memory_space<hbm>>) dst(%dma_wait3A_98 : memref<128x128xf32, #tpu.memory_space<vmem>>)
    %add3A_103 = arith.constant 128 : i32
    %add3A_104 = arith.addi %mul3A_2, %add3A_103 : i32
    %min3A_105 = arith.constant 99872 : i32
    %min3A_106 = arith.minsi %add3A_104, %min3A_105 : i32
    %run_scoped3A_107 = arith.constant 1 : i32
    "tpu.region"() ({
      %run_scoped3A_170 = tpu.sem_alloc : memref<!tpu.dma_semaphore, #tpu.memory_space<semaphore_mem>>
      %dma_start3A_171 = arith.constant 0 : i32
      %dma_start3A_172 = arith.constant 0 : i32
      %dma_start3A_173 = tpu.memref_slice %arg6[%run_scoped3A_107, %dma_start3A_171, %dma_start3A_172] : memref<4x128x128xf32, #tpu.memory_space<vmem>> -> memref<1x128x128xf32, #tpu.memory_space<vmem>>
      %dma_start3A_174 = tpu.memref_squeeze %dma_start3A_173 : memref<1x128x128xf32, #tpu.memory_space<vmem>> -> memref<128x128xf32, #tpu.memory_space<vmem>>
      %dma_start3A_175 = arith.constant 0 : i32
      %dma_start3A_176 = tpu.memref_slice %arg4[%min3A_106, %dma_start3A_175] : memref<100000x128xf32, #tpu.memory_space<hbm>> -> memref<128x128xf32, #tpu.memory_space<hbm>>
      %dma_start3A_177 = arith.constant 0 : i32
      %dma_start3A_178 = tpu.memref_slice %arg4[%min3A_106, %dma_start3A_177] : memref<100000x128xf32, #tpu.memory_space<hbm>> -> memref<128x128xf32, #tpu.memory_space<hbm>>
      %dma_start3A_179 = arith.constant 0 : i32
      %dma_start3A_180 = arith.constant 0 : i32
      %dma_start3A_181 = tpu.memref_slice %arg6[%run_scoped3A_107, %dma_start3A_179, %dma_start3A_180] : memref<4x128x128xf32, #tpu.memory_space<vmem>> -> memref<1x128x128xf32, #tpu.memory_space<vmem>>
      %dma_start3A_182 = tpu.memref_squeeze %dma_start3A_181 : memref<1x128x128xf32, #tpu.memory_space<vmem>> -> memref<128x128xf32, #tpu.memory_space<vmem>>
      tpu.enqueue_dma source(%dma_start3A_182 : memref<128x128xf32, #tpu.memory_space<vmem>>) target(%dma_start3A_178 : memref<128x128xf32, #tpu.memory_space<hbm>>) target_semaphore(%run_scoped3A_170 : memref<!tpu.dma_semaphore, #tpu.memory_space<semaphore_mem>>)
      %dma_wait3A_183 = arith.constant 0 : i32
      %dma_wait3A_184 = arith.constant 0 : i32
      %dma_wait3A_185 = tpu.memref_slice %arg6[%run_scoped3A_107, %dma_wait3A_183, %dma_wait3A_184] : memref<4x128x128xf32, #tpu.memory_space<vmem>> -> memref<1x128x128xf32, #tpu.memory_space<vmem>>
      %dma_wait3A_186 = tpu.memref_squeeze %dma_wait3A_185 : memref<1x128x128xf32, #tpu.memory_space<vmem>> -> memref<128x128xf32, #tpu.memory_space<vmem>>
      %dma_wait3A_187 = arith.constant 0 : i32
      %dma_wait3A_188 = tpu.memref_slice %arg4[%min3A_106, %dma_wait3A_187] : memref<100000x128xf32, #tpu.memory_space<hbm>> -> memref<128x128xf32, #tpu.memory_space<hbm>>
      %dma_wait3A_189 = arith.constant 0 : i32
      %dma_wait3A_190 = tpu.memref_slice %arg4[%min3A_106, %dma_wait3A_189] : memref<100000x128xf32, #tpu.memory_space<hbm>> -> memref<128x128xf32, #tpu.memory_space<hbm>>
      %dma_wait3A_191 = arith.constant 0 : i32
      %dma_wait3A_192 = arith.constant 0 : i32
      %dma_wait3A_193 = tpu.memref_slice %arg6[%run_scoped3A_107, %dma_wait3A_191, %dma_wait3A_192] : memref<4x128x128xf32, #tpu.memory_space<vmem>> -> memref<1x128x128xf32, #tpu.memory_space<vmem>>
      %dma_wait3A_194 = tpu.memref_squeeze %dma_wait3A_193 : memref<1x128x128xf32, #tpu.memory_space<vmem>> -> memref<128x128xf32, #tpu.memory_space<vmem>>
      tpu.wait_dma2 semaphore(%run_scoped3A_170 : memref<!tpu.dma_semaphore, #tpu.memory_space<semaphore_mem>>) src(%dma_wait3A_194 : memref<128x128xf32, #tpu.memory_space<vmem>>) dst(%dma_wait3A_190 : memref<128x128xf32, #tpu.memory_space<hbm>>)
      tpu.yield
    }) : () -> ()
    %scan3A = arith.constant 0 : i32
    %scan3A_108 = arith.constant 0 : i32
    %scan3A_109 = arith.constant 5 : i32
    %scan3A_110 = arith.addi %scan3A_108, %scan3A_109 : i32
    %scan3A_111 = arith.constant 1 : i32
    scf.for %scan3A_170 = %scan3A_108 to %scan3A_110 step %scan3A_111  : i32 {
      %mul3A_171 = arith.constant 4 : i32
      %mul3A_172 = arith.muli %scan3A_170, %mul3A_171 : i32
      %add3A_173 = arith.constant 2 : i32
      %add3A_174 = arith.addi %add3A_173, %mul3A_172 : i32
      %add3A_175 = arith.constant 0 : i32
      %add3A_176 = arith.addi %add3A_174, %add3A_175 : i32
      %add3A_177 = arith.constant 4 : i32
      %add3A_178 = arith.addi %add3A_176, %add3A_177 : i32
      %sub3A_179 = arith.constant 1 : i32
      %sub3A_180 = arith.subi %add3A_178, %sub3A_179 : i32
      %mul3A_181 = arith.constant 128 : i32
      %mul3A_182 = arith.muli %sub3A_180, %mul3A_181 : i32
      %add3A_183 = arith.addi %mul3A_2, %mul3A_182 : i32
      %min3A_184 = arith.constant 99872 : i32
      %min3A_185 = arith.minsi %add3A_183, %min3A_184 : i32
      %sub3A_186 = arith.subi %min3A_185, %min3A_3 : i32
      %dma_start3A_187 = arith.constant 1 : i32
      %dma_start3A_188 = arith.constant 0 : i32
      %dma_start3A_189 = arith.constant 0 : i32
      %dma_start3A_190 = tpu.memref_slice %arg6[%dma_start3A_187, %dma_start3A_188, %dma_start3A_189] : memref<4x128x128xf32, #tpu.memory_space<vmem>> -> memref<1x128x128xf32, #tpu.memory_space<vmem>>
      %dma_start3A_191 = tpu.memref_squeeze %dma_start3A_190 : memref<1x128x128xf32, #tpu.memory_space<vmem>> -> memref<128x128xf32, #tpu.memory_space<vmem>>
      %dma_start3A_192 = tpu.memref_slice %arg5[%sub3A_186] : memref<3200xi32, #tpu.memory_space<vmem>> -> memref<128xi32, #tpu.memory_space<vmem>>
      %dma_start3A_193 = arith.constant 0 : i32
      %dma_start3A_194 = arith.constant 0 : i32
      %dma_start3A_195 = tpu.memref_slice %arg2[%dma_start3A_193, %dma_start3A_194] : memref<100008x128xf32, #tpu.memory_space<hbm>> -> memref<100008x128xf32, #tpu.memory_space<hbm>>
      tpu.enqueue_indirect_dma source(%dma_start3A_195 : memref<100008x128xf32, #tpu.memory_space<hbm>>) target(%dma_start3A_191 : memref<128x128xf32, #tpu.memory_space<vmem>>) offsets(%dma_start3A_192 : memref<128xi32, #tpu.memory_space<vmem>>) semaphore(%arg8 : memref<!tpu.dma_semaphore, #tpu.memory_space<semaphore_mem>>)
      %mul3A_196 = arith.constant 128 : i32
      %mul3A_197 = arith.muli %add3A_176, %mul3A_196 : i32
      %add3A_198 = arith.addi %mul3A_2, %mul3A_197 : i32
      %min3A_199 = arith.constant 99872 : i32
      %min3A_200 = arith.minsi %add3A_198, %min3A_199 : i32
      %sub3A_201 = arith.subi %min3A_200, %min3A_3 : i32
      %dma_wait3A_202 = arith.constant 2 : i32
      %dma_wait3A_203 = arith.constant 0 : i32
      %dma_wait3A_204 = arith.constant 0 : i32
      %dma_wait3A_205 = tpu.memref_slice %arg6[%dma_wait3A_202, %dma_wait3A_203, %dma_wait3A_204] : memref<4x128x128xf32, #tpu.memory_space<vmem>> -> memref<1x128x128xf32, #tpu.memory_space<vmem>>
      %dma_wait3A_206 = tpu.memref_squeeze %dma_wait3A_205 : memref<1x128x128xf32, #tpu.memory_space<vmem>> -> memref<128x128xf32, #tpu.memory_space<vmem>>
      %dma_wait3A_207 = tpu.memref_slice %arg5[%sub3A_201] : memref<3200xi32, #tpu.memory_space<vmem>> -> memref<128xi32, #tpu.memory_space<vmem>>
      %dma_wait3A_208 = arith.constant 0 : i32
      %dma_wait3A_209 = arith.constant 0 : i32
      %dma_wait3A_210 = tpu.memref_slice %arg2[%dma_wait3A_208, %dma_wait3A_209] : memref<100008x128xf32, #tpu.memory_space<hbm>> -> memref<100008x128xf32, #tpu.memory_space<hbm>>
      tpu.wait_indirect_dma semaphore(%arg9 : memref<!tpu.dma_semaphore, #tpu.memory_space<semaphore_mem>>) src(%dma_wait3A_210 : memref<100008x128xf32, #tpu.memory_space<hbm>>) dst(%dma_wait3A_206 : memref<128x128xf32, #tpu.memory_space<vmem>>)
      %mul3A_211 = arith.constant 128 : i32
      %mul3A_212 = arith.muli %add3A_176, %mul3A_211 : i32
      %add3A_213 = arith.addi %mul3A_2, %mul3A_212 : i32
      %min3A_214 = arith.constant 99872 : i32
      %min3A_215 = arith.minsi %add3A_213, %min3A_214 : i32
      %run_scoped3A_216 = arith.constant 2 : i32
      "tpu.region"() ({
        %run_scoped3A_343 = tpu.sem_alloc : memref<!tpu.dma_semaphore, #tpu.memory_space<semaphore_mem>>
        %dma_start3A_344 = arith.constant 0 : i32
        %dma_start3A_345 = arith.constant 0 : i32
        %dma_start3A_346 = tpu.memref_slice %arg6[%run_scoped3A_216, %dma_start3A_344, %dma_start3A_345] : memref<4x128x128xf32, #tpu.memory_space<vmem>> -> memref<1x128x128xf32, #tpu.memory_space<vmem>>
        %dma_start3A_347 = tpu.memref_squeeze %dma_start3A_346 : memref<1x128x128xf32, #tpu.memory_space<vmem>> -> memref<128x128xf32, #tpu.memory_space<vmem>>
        %dma_start3A_348 = arith.constant 0 : i32
        %dma_start3A_349 = tpu.memref_slice %arg4[%min3A_215, %dma_start3A_348] : memref<100000x128xf32, #tpu.memory_space<hbm>> -> memref<128x128xf32, #tpu.memory_space<hbm>>
        %dma_start3A_350 = arith.constant 0 : i32
        %dma_start3A_351 = tpu.memref_slice %arg4[%min3A_215, %dma_start3A_350] : memref<100000x128xf32, #tpu.memory_space<hbm>> -> memref<128x128xf32, #tpu.memory_space<hbm>>
        %dma_start3A_352 = arith.constant 0 : i32
        %dma_start3A_353 = arith.constant 0 : i32
        %dma_start3A_354 = tpu.memref_slice %arg6[%run_scoped3A_216, %dma_start3A_352, %dma_start3A_353] : memref<4x128x128xf32, #tpu.memory_space<vmem>> -> memref<1x128x128xf32, #tpu.memory_space<vmem>>
        %dma_start3A_355 = tpu.memref_squeeze %dma_start3A_354 : memref<1x128x128xf32, #tpu.memory_space<vmem>> -> memref<128x128xf32, #tpu.memory_space<vmem>>
        tpu.enqueue_dma source(%dma_start3A_355 : memref<128x128xf32, #tpu.memory_space<vmem>>) target(%dma_start3A_351 : memref<128x128xf32, #tpu.memory_space<hbm>>) target_semaphore(%run_scoped3A_343 : memref<!tpu.dma_semaphore, #tpu.memory_space<semaphore_mem>>)
        %dma_wait3A_356 = arith.constant 0 : i32
        %dma_wait3A_357 = arith.constant 0 : i32
        %dma_wait3A_358 = tpu.memref_slice %arg6[%run_scoped3A_216, %dma_wait3A_356, %dma_wait3A_357] : memref<4x128x128xf32, #tpu.memory_space<vmem>> -> memref<1x128x128xf32, #tpu.memory_space<vmem>>
        %dma_wait3A_359 = tpu.memref_squeeze %dma_wait3A_358 : memref<1x128x128xf32, #tpu.memory_space<vmem>> -> memref<128x128xf32, #tpu.memory_space<vmem>>
        %dma_wait3A_360 = arith.constant 0 : i32
        %dma_wait3A_361 = tpu.memref_slice %arg4[%min3A_215, %dma_wait3A_360] : memref<100000x128xf32, #tpu.memory_space<hbm>> -> memref<128x128xf32, #tpu.memory_space<hbm>>
        %dma_wait3A_362 = arith.constant 0 : i32
        %dma_wait3A_363 = tpu.memref_slice %arg4[%min3A_215, %dma_wait3A_362] : memref<100000x128xf32, #tpu.memory_space<hbm>> -> memref<128x128xf32, #tpu.memory_space<hbm>>
        %dma_wait3A_364 = arith.constant 0 : i32
        %dma_wait3A_365 = arith.constant 0 : i32
        %dma_wait3A_366 = tpu.memref_slice %arg6[%run_scoped3A_216, %dma_wait3A_364, %dma_wait3A_365] : memref<4x128x128xf32, #tpu.memory_space<vmem>> -> memref<1x128x128xf32, #tpu.memory_space<vmem>>
        %dma_wait3A_367 = tpu.memref_squeeze %dma_wait3A_366 : memref<1x128x128xf32, #tpu.memory_space<vmem>> -> memref<128x128xf32, #tpu.memory_space<vmem>>
        tpu.wait_dma2 semaphore(%run_scoped3A_343 : memref<!tpu.dma_semaphore, #tpu.memory_space<semaphore_mem>>) src(%dma_wait3A_367 : memref<128x128xf32, #tpu.memory_space<vmem>>) dst(%dma_wait3A_363 : memref<128x128xf32, #tpu.memory_space<hbm>>)
        tpu.yield
      }) : () -> ()
      %add3A_217 = arith.constant 1 : i32
      %add3A_218 = arith.addi %add3A_174, %add3A_217 : i32
      %add3A_219 = arith.constant 4 : i32
      %add3A_220 = arith.addi %add3A_218, %add3A_219 : i32
      %sub3A_221 = arith.constant 1 : i32
      %sub3A_222 = arith.subi %add3A_220, %sub3A_221 : i32
      %mul3A_223 = arith.constant 128 : i32
      %mul3A_224 = arith.muli %sub3A_222, %mul3A_223 : i32
      %add3A_225 = arith.addi %mul3A_2, %mul3A_224 : i32
      %min3A_226 = arith.constant 99872 : i32
      %min3A_227 = arith.minsi %add3A_225, %min3A_226 : i32
      %sub3A_228 = arith.subi %min3A_227, %min3A_3 : i32
      %dma_start3A_229 = arith.constant 2 : i32
      %dma_start3A_230 = arith.constant 0 : i32
      %dma_start3A_231 = arith.constant 0 : i32
      %dma_start3A_232 = tpu.memref_slice %arg6[%dma_start3A_229, %dma_start3A_230, %dma_start3A_231] : memref<4x128x128xf32, #tpu.memory_space<vmem>> -> memref<1x128x128xf32, #tpu.memory_space<vmem>>
      %dma_start3A_233 = tpu.memref_squeeze %dma_start3A_232 : memref<1x128x128xf32, #tpu.memory_space<vmem>> -> memref<128x128xf32, #tpu.memory_space<vmem>>
      %dma_start3A_234 = tpu.memref_slice %arg5[%sub3A_228] : memref<3200xi32, #tpu.memory_space<vmem>> -> memref<128xi32, #tpu.memory_space<vmem>>
      %dma_start3A_235 = arith.constant 0 : i32
      %dma_start3A_236 = arith.constant 0 : i32
      %dma_start3A_237 = tpu.memref_slice %arg2[%dma_start3A_235, %dma_start3A_236] : memref<100008x128xf32, #tpu.memory_space<hbm>> -> memref<100008x128xf32, #tpu.memory_space<hbm>>
      tpu.enqueue_indirect_dma source(%dma_start3A_237 : memref<100008x128xf32, #tpu.memory_space<hbm>>) target(%dma_start3A_233 : memref<128x128xf32, #tpu.memory_space<vmem>>) offsets(%dma_start3A_234 : memref<128xi32, #tpu.memory_space<vmem>>) semaphore(%arg9 : memref<!tpu.dma_semaphore, #tpu.memory_space<semaphore_mem>>)
      %mul3A_238 = arith.constant 128 : i32
      %mul3A_239 = arith.muli %add3A_218, %mul3A_238 : i32
      %add3A_240 = arith.addi %mul3A_2, %mul3A_239 : i32
      %min3A_241 = arith.constant 99872 : i32
      %min3A_242 = arith.minsi %add3A_240, %min3A_241 : i32
      %sub3A_243 = arith.subi %min3A_242, %min3A_3 : i32
      %dma_wait3A_244 = arith.constant 3 : i32
      %dma_wait3A_245 = arith.constant 0 : i32
      %dma_wait3A_246 = arith.constant 0 : i32
      %dma_wait3A_247 = tpu.memref_slice %arg6[%dma_wait3A_244, %dma_wait3A_245, %dma_wait3A_246] : memref<4x128x128xf32, #tpu.memory_space<vmem>> -> memref<1x128x128xf32, #tpu.memory_space<vmem>>
      %dma_wait3A_248 = tpu.memref_squeeze %dma_wait3A_247 : memref<1x128x128xf32, #tpu.memory_space<vmem>> -> memref<128x128xf32, #tpu.memory_space<vmem>>
      %dma_wait3A_249 = tpu.memref_slice %arg5[%sub3A_243] : memref<3200xi32, #tpu.memory_space<vmem>> -> memref<128xi32, #tpu.memory_space<vmem>>
      %dma_wait3A_250 = arith.constant 0 : i32
      %dma_wait3A_251 = arith.constant 0 : i32
      %dma_wait3A_252 = tpu.memref_slice %arg2[%dma_wait3A_250, %dma_wait3A_251] : memref<100008x128xf32, #tpu.memory_space<hbm>> -> memref<100008x128xf32, #tpu.memory_space<hbm>>
      tpu.wait_indirect_dma semaphore(%arg10 : memref<!tpu.dma_semaphore, #tpu.memory_space<semaphore_mem>>) src(%dma_wait3A_252 : memref<100008x128xf32, #tpu.memory_space<hbm>>) dst(%dma_wait3A_248 : memref<128x128xf32, #tpu.memory_space<vmem>>)
      %mul3A_253 = arith.constant 128 : i32
      %mul3A_254 = arith.muli %add3A_218, %mul3A_253 : i32
      %add3A_255 = arith.addi %mul3A_2, %mul3A_254 : i32
      %min3A_256 = arith.constant 99872 : i32
      %min3A_257 = arith.minsi %add3A_255, %min3A_256 : i32
      %run_scoped3A_258 = arith.constant 3 : i32
      "tpu.region"() ({
        %run_scoped3A_343 = tpu.sem_alloc : memref<!tpu.dma_semaphore, #tpu.memory_space<semaphore_mem>>
        %dma_start3A_344 = arith.constant 0 : i32
        %dma_start3A_345 = arith.constant 0 : i32
        %dma_start3A_346 = tpu.memref_slice %arg6[%run_scoped3A_258, %dma_start3A_344, %dma_start3A_345] : memref<4x128x128xf32, #tpu.memory_space<vmem>> -> memref<1x128x128xf32, #tpu.memory_space<vmem>>
        %dma_start3A_347 = tpu.memref_squeeze %dma_start3A_346 : memref<1x128x128xf32, #tpu.memory_space<vmem>> -> memref<128x128xf32, #tpu.memory_space<vmem>>
        %dma_start3A_348 = arith.constant 0 : i32
        %dma_start3A_349 = tpu.memref_slice %arg4[%min3A_257, %dma_start3A_348] : memref<100000x128xf32, #tpu.memory_space<hbm>> -> memref<128x128xf32, #tpu.memory_space<hbm>>
        %dma_start3A_350 = arith.constant 0 : i32
        %dma_start3A_351 = tpu.memref_slice %arg4[%min3A_257, %dma_start3A_350] : memref<100000x128xf32, #tpu.memory_space<hbm>> -> memref<128x128xf32, #tpu.memory_space<hbm>>
        %dma_start3A_352 = arith.constant 0 : i32
        %dma_start3A_353 = arith.constant 0 : i32
        %dma_start3A_354 = tpu.memref_slice %arg6[%run_scoped3A_258, %dma_start3A_352, %dma_start3A_353] : memref<4x128x128xf32, #tpu.memory_space<vmem>> -> memref<1x128x128xf32, #tpu.memory_space<vmem>>
        %dma_start3A_355 = tpu.memref_squeeze %dma_start3A_354 : memref<1x128x128xf32, #tpu.memory_space<vmem>> -> memref<128x128xf32, #tpu.memory_space<vmem>>
        tpu.enqueue_dma source(%dma_start3A_355 : memref<128x128xf32, #tpu.memory_space<vmem>>) target(%dma_start3A_351 : memref<128x128xf32, #tpu.memory_space<hbm>>) target_semaphore(%run_scoped3A_343 : memref<!tpu.dma_semaphore, #tpu.memory_space<semaphore_mem>>)
        %dma_wait3A_356 = arith.constant 0 : i32
        %dma_wait3A_357 = arith.constant 0 : i32
        %dma_wait3A_358 = tpu.memref_slice %arg6[%run_scoped3A_258, %dma_wait3A_356, %dma_wait3A_357] : memref<4x128x128xf32, #tpu.memory_space<vmem>> -> memref<1x128x128xf32, #tpu.memory_space<vmem>>
        %dma_wait3A_359 = tpu.memref_squeeze %dma_wait3A_358 : memref<1x128x128xf32, #tpu.memory_space<vmem>> -> memref<128x128xf32, #tpu.memory_space<vmem>>
        %dma_wait3A_360 = arith.constant 0 : i32
        %dma_wait3A_361 = tpu.memref_slice %arg4[%min3A_257, %dma_wait3A_360] : memref<100000x128xf32, #tpu.memory_space<hbm>> -> memref<128x128xf32, #tpu.memory_space<hbm>>
        %dma_wait3A_362 = arith.constant 0 : i32
        %dma_wait3A_363 = tpu.memref_slice %arg4[%min3A_257, %dma_wait3A_362] : memref<100000x128xf32, #tpu.memory_space<hbm>> -> memref<128x128xf32, #tpu.memory_space<hbm>>
        %dma_wait3A_364 = arith.constant 0 : i32
        %dma_wait3A_365 = arith.constant 0 : i32
        %dma_wait3A_366 = tpu.memref_slice %arg6[%run_scoped3A_258, %dma_wait3A_364, %dma_wait3A_365] : memref<4x128x128xf32, #tpu.memory_space<vmem>> -> memref<1x128x128xf32, #tpu.memory_space<vmem>>
        %dma_wait3A_367 = tpu.memref_squeeze %dma_wait3A_366 : memref<1x128x128xf32, #tpu.memory_space<vmem>> -> memref<128x128xf32, #tpu.memory_space<vmem>>
        tpu.wait_dma2 semaphore(%run_scoped3A_343 : memref<!tpu.dma_semaphore, #tpu.memory_space<semaphore_mem>>) src(%dma_wait3A_367 : memref<128x128xf32, #tpu.memory_space<vmem>>) dst(%dma_wait3A_363 : memref<128x128xf32, #tpu.memory_space<hbm>>)
        tpu.yield
      }) : () -> ()
      %add3A_259 = arith.constant 2 : i32
      %add3A_260 = arith.addi %add3A_174, %add3A_259 : i32
      %add3A_261 = arith.constant 4 : i32
      %add3A_262 = arith.addi %add3A_260, %add3A_261 : i32
      %sub3A_263 = arith.constant 1 : i32
      %sub3A_264 = arith.subi %add3A_262, %sub3A_263 : i32
      %mul3A_265 = arith.constant 128 : i32
      %mul3A_266 = arith.muli %sub3A_264, %mul3A_265 : i32
      %add3A_267 = arith.addi %mul3A_2, %mul3A_266 : i32
      %min3A_268 = arith.constant 99872 : i32
      %min3A_269 = arith.minsi %add3A_267, %min3A_268 : i32
      %sub3A_270 = arith.subi %min3A_269, %min3A_3 : i32
      %dma_start3A_271 = arith.constant 3 : i32
      %dma_start3A_272 = arith.constant 0 : i32
      %dma_start3A_273 = arith.constant 0 : i32
      %dma_start3A_274 = tpu.memref_slice %arg6[%dma_start3A_271, %dma_start3A_272, %dma_start3A_273] : memref<4x128x128xf32, #tpu.memory_space<vmem>> -> memref<1x128x128xf32, #tpu.memory_space<vmem>>
      %dma_start3A_275 = tpu.memref_squeeze %dma_start3A_274 : memref<1x128x128xf32, #tpu.memory_space<vmem>> -> memref<128x128xf32, #tpu.memory_space<vmem>>
      %dma_start3A_276 = tpu.memref_slice %arg5[%sub3A_270] : memref<3200xi32, #tpu.memory_space<vmem>> -> memref<128xi32, #tpu.memory_space<vmem>>
      %dma_start3A_277 = arith.constant 0 : i32
      %dma_start3A_278 = arith.constant 0 : i32
      %dma_start3A_279 = tpu.memref_slice %arg2[%dma_start3A_277, %dma_start3A_278] : memref<100008x128xf32, #tpu.memory_space<hbm>> -> memref<100008x128xf32, #tpu.memory_space<hbm>>
      tpu.enqueue_indirect_dma source(%dma_start3A_279 : memref<100008x128xf32, #tpu.memory_space<hbm>>) target(%dma_start3A_275 : memref<128x128xf32, #tpu.memory_space<vmem>>) offsets(%dma_start3A_276 : memref<128xi32, #tpu.memory_space<vmem>>) semaphore(%arg10 : memref<!tpu.dma_semaphore, #tpu.memory_space<semaphore_mem>>)
      %mul3A_280 = arith.constant 128 : i32
      %mul3A_281 = arith.muli %add3A_260, %mul3A_280 : i32
      %add3A_282 = arith.addi %mul3A_2, %mul3A_281 : i32
      %min3A_283 = arith.constant 99872 : i32
      %min3A_284 = arith.minsi %add3A_282, %min3A_283 : i32
      %sub3A_285 = arith.subi %min3A_284, %min3A_3 : i32
      %dma_wait3A_286 = arith.constant 0 : i32
      %dma_wait3A_287 = arith.constant 0 : i32
      %dma_wait3A_288 = arith.constant 0 : i32
      %dma_wait3A_289 = tpu.memref_slice %arg6[%dma_wait3A_286, %dma_wait3A_287, %dma_wait3A_288] : memref<4x128x128xf32, #tpu.memory_space<vmem>> -> memref<1x128x128xf32, #tpu.memory_space<vmem>>
      %dma_wait3A_290 = tpu.memref_squeeze %dma_wait3A_289 : memref<1x128x128xf32, #tpu.memory_space<vmem>> -> memref<128x128xf32, #tpu.memory_space<vmem>>
      %dma_wait3A_291 = tpu.memref_slice %arg5[%sub3A_285] : memref<3200xi32, #tpu.memory_space<vmem>> -> memref<128xi32, #tpu.memory_space<vmem>>
      %dma_wait3A_292 = arith.constant 0 : i32
      %dma_wait3A_293 = arith.constant 0 : i32
      %dma_wait3A_294 = tpu.memref_slice %arg2[%dma_wait3A_292, %dma_wait3A_293] : memref<100008x128xf32, #tpu.memory_space<hbm>> -> memref<100008x128xf32, #tpu.memory_space<hbm>>
      tpu.wait_indirect_dma semaphore(%arg7 : memref<!tpu.dma_semaphore, #tpu.memory_space<semaphore_mem>>) src(%dma_wait3A_294 : memref<100008x128xf32, #tpu.memory_space<hbm>>) dst(%dma_wait3A_290 : memref<128x128xf32, #tpu.memory_space<vmem>>)
      %mul3A_295 = arith.constant 128 : i32
      %mul3A_296 = arith.muli %add3A_260, %mul3A_295 : i32
      %add3A_297 = arith.addi %mul3A_2, %mul3A_296 : i32
      %min3A_298 = arith.constant 99872 : i32
      %min3A_299 = arith.minsi %add3A_297, %min3A_298 : i32
      %run_scoped3A_300 = arith.constant 0 : i32
      "tpu.region"() ({
        %run_scoped3A_343 = tpu.sem_alloc : memref<!tpu.dma_semaphore, #tpu.memory_space<semaphore_mem>>
        %dma_start3A_344 = arith.constant 0 : i32
        %dma_start3A_345 = arith.constant 0 : i32
        %dma_start3A_346 = tpu.memref_slice %arg6[%run_scoped3A_300, %dma_start3A_344, %dma_start3A_345] : memref<4x128x128xf32, #tpu.memory_space<vmem>> -> memref<1x128x128xf32, #tpu.memory_space<vmem>>
        %dma_start3A_347 = tpu.memref_squeeze %dma_start3A_346 : memref<1x128x128xf32, #tpu.memory_space<vmem>> -> memref<128x128xf32, #tpu.memory_space<vmem>>
        %dma_start3A_348 = arith.constant 0 : i32
        %dma_start3A_349 = tpu.memref_slice %arg4[%min3A_299, %dma_start3A_348] : memref<100000x128xf32, #tpu.memory_space<hbm>> -> memref<128x128xf32, #tpu.memory_space<hbm>>
        %dma_start3A_350 = arith.constant 0 : i32
        %dma_start3A_351 = tpu.memref_slice %arg4[%min3A_299, %dma_start3A_350] : memref<100000x128xf32, #tpu.memory_space<hbm>> -> memref<128x128xf32, #tpu.memory_space<hbm>>
        %dma_start3A_352 = arith.constant 0 : i32
        %dma_start3A_353 = arith.constant 0 : i32
        %dma_start3A_354 = tpu.memref_slice %arg6[%run_scoped3A_300, %dma_start3A_352, %dma_start3A_353] : memref<4x128x128xf32, #tpu.memory_space<vmem>> -> memref<1x128x128xf32, #tpu.memory_space<vmem>>
        %dma_start3A_355 = tpu.memref_squeeze %dma_start3A_354 : memref<1x128x128xf32, #tpu.memory_space<vmem>> -> memref<128x128xf32, #tpu.memory_space<vmem>>
        tpu.enqueue_dma source(%dma_start3A_355 : memref<128x128xf32, #tpu.memory_space<vmem>>) target(%dma_start3A_351 : memref<128x128xf32, #tpu.memory_space<hbm>>) target_semaphore(%run_scoped3A_343 : memref<!tpu.dma_semaphore, #tpu.memory_space<semaphore_mem>>)
        %dma_wait3A_356 = arith.constant 0 : i32
        %dma_wait3A_357 = arith.constant 0 : i32
        %dma_wait3A_358 = tpu.memref_slice %arg6[%run_scoped3A_300, %dma_wait3A_356, %dma_wait3A_357] : memref<4x128x128xf32, #tpu.memory_space<vmem>> -> memref<1x128x128xf32, #tpu.memory_space<vmem>>
        %dma_wait3A_359 = tpu.memref_squeeze %dma_wait3A_358 : memref<1x128x128xf32, #tpu.memory_space<vmem>> -> memref<128x128xf32, #tpu.memory_space<vmem>>
        %dma_wait3A_360 = arith.constant 0 : i32
        %dma_wait3A_361 = tpu.memref_slice %arg4[%min3A_299, %dma_wait3A_360] : memref<100000x128xf32, #tpu.memory_space<hbm>> -> memref<128x128xf32, #tpu.memory_space<hbm>>
        %dma_wait3A_362 = arith.constant 0 : i32
        %dma_wait3A_363 = tpu.memref_slice %arg4[%min3A_299, %dma_wait3A_362] : memref<100000x128xf32, #tpu.memory_space<hbm>> -> memref<128x128xf32, #tpu.memory_space<hbm>>
        %dma_wait3A_364 = arith.constant 0 : i32
        %dma_wait3A_365 = arith.constant 0 : i32
        %dma_wait3A_366 = tpu.memref_slice %arg6[%run_scoped3A_300, %dma_wait3A_364, %dma_wait3A_365] : memref<4x128x128xf32, #tpu.memory_space<vmem>> -> memref<1x128x128xf32, #tpu.memory_space<vmem>>
        %dma_wait3A_367 = tpu.memref_squeeze %dma_wait3A_366 : memref<1x128x128xf32, #tpu.memory_space<vmem>> -> memref<128x128xf32, #tpu.memory_space<vmem>>
        tpu.wait_dma2 semaphore(%run_scoped3A_343 : memref<!tpu.dma_semaphore, #tpu.memory_space<semaphore_mem>>) src(%dma_wait3A_367 : memref<128x128xf32, #tpu.memory_space<vmem>>) dst(%dma_wait3A_363 : memref<128x128xf32, #tpu.memory_space<hbm>>)
        tpu.yield
      }) : () -> ()
      %add3A_301 = arith.constant 3 : i32
      %add3A_302 = arith.addi %add3A_174, %add3A_301 : i32
      %add3A_303 = arith.constant 4 : i32
      %add3A_304 = arith.addi %add3A_302, %add3A_303 : i32
      %sub3A_305 = arith.constant 1 : i32
      %sub3A_306 = arith.subi %add3A_304, %sub3A_305 : i32
      %mul3A_307 = arith.constant 128 : i32
      %mul3A_308 = arith.muli %sub3A_306, %mul3A_307 : i32
      %add3A_309 = arith.addi %mul3A_2, %mul3A_308 : i32
      %min3A_310 = arith.constant 99872 : i32
      %min3A_311 = arith.minsi %add3A_309, %min3A_310 : i32
      %sub3A_312 = arith.subi %min3A_311, %min3A_3 : i32
      %dma_start3A_313 = arith.constant 0 : i32
      %dma_start3A_314 = arith.constant 0 : i32
      %dma_start3A_315 = arith.constant 0 : i32
      %dma_start3A_316 = tpu.memref_slice %arg6[%dma_start3A_313, %dma_start3A_314, %dma_start3A_315] : memref<4x128x128xf32, #tpu.memory_space<vmem>> -> memref<1x128x128xf32, #tpu.memory_space<vmem>>
      %dma_start3A_317 = tpu.memref_squeeze %dma_start3A_316 : memref<1x128x128xf32, #tpu.memory_space<vmem>> -> memref<128x128xf32, #tpu.memory_space<vmem>>
      %dma_start3A_318 = tpu.memref_slice %arg5[%sub3A_312] : memref<3200xi32, #tpu.memory_space<vmem>> -> memref<128xi32, #tpu.memory_space<vmem>>
      %dma_start3A_319 = arith.constant 0 : i32
      %dma_start3A_320 = arith.constant 0 : i32
      %dma_start3A_321 = tpu.memref_slice %arg2[%dma_start3A_319, %dma_start3A_320] : memref<100008x128xf32, #tpu.memory_space<hbm>> -> memref<100008x128xf32, #tpu.memory_space<hbm>>
      tpu.enqueue_indirect_dma source(%dma_start3A_321 : memref<100008x128xf32, #tpu.memory_space<hbm>>) target(%dma_start3A_317 : memref<128x128xf32, #tpu.memory_space<vmem>>) offsets(%dma_start3A_318 : memref<128xi32, #tpu.memory_space<vmem>>) semaphore(%arg7 : memref<!tpu.dma_semaphore, #tpu.memory_space<semaphore_mem>>)
      %mul3A_322 = arith.constant 128 : i32
      %mul3A_323 = arith.muli %add3A_302, %mul3A_322 : i32
      %add3A_324 = arith.addi %mul3A_2, %mul3A_323 : i32
      %min3A_325 = arith.constant 99872 : i32
      %min3A_326 = arith.minsi %add3A_324, %min3A_325 : i32
      %sub3A_327 = arith.subi %min3A_326, %min3A_3 : i32
      %dma_wait3A_328 = arith.constant 1 : i32
      %dma_wait3A_329 = arith.constant 0 : i32
      %dma_wait3A_330 = arith.constant 0 : i32
      %dma_wait3A_331 = tpu.memref_slice %arg6[%dma_wait3A_328, %dma_wait3A_329, %dma_wait3A_330] : memref<4x128x128xf32, #tpu.memory_space<vmem>> -> memref<1x128x128xf32, #tpu.memory_space<vmem>>
      %dma_wait3A_332 = tpu.memref_squeeze %dma_wait3A_331 : memref<1x128x128xf32, #tpu.memory_space<vmem>> -> memref<128x128xf32, #tpu.memory_space<vmem>>
      %dma_wait3A_333 = tpu.memref_slice %arg5[%sub3A_327] : memref<3200xi32, #tpu.memory_space<vmem>> -> memref<128xi32, #tpu.memory_space<vmem>>
      %dma_wait3A_334 = arith.constant 0 : i32
      %dma_wait3A_335 = arith.constant 0 : i32
      %dma_wait3A_336 = tpu.memref_slice %arg2[%dma_wait3A_334, %dma_wait3A_335] : memref<100008x128xf32, #tpu.memory_space<hbm>> -> memref<100008x128xf32, #tpu.memory_space<hbm>>
      tpu.wait_indirect_dma semaphore(%arg8 : memref<!tpu.dma_semaphore, #tpu.memory_space<semaphore_mem>>) src(%dma_wait3A_336 : memref<100008x128xf32, #tpu.memory_space<hbm>>) dst(%dma_wait3A_332 : memref<128x128xf32, #tpu.memory_space<vmem>>)
      %mul3A_337 = arith.constant 128 : i32
      %mul3A_338 = arith.muli %add3A_302, %mul3A_337 : i32
      %add3A_339 = arith.addi %mul3A_2, %mul3A_338 : i32
      %min3A_340 = arith.constant 99872 : i32
      %min3A_341 = arith.minsi %add3A_339, %min3A_340 : i32
      %run_scoped3A_342 = arith.constant 1 : i32
      "tpu.region"() ({
        %run_scoped3A_343 = tpu.sem_alloc : memref<!tpu.dma_semaphore, #tpu.memory_space<semaphore_mem>>
        %dma_start3A_344 = arith.constant 0 : i32
        %dma_start3A_345 = arith.constant 0 : i32
        %dma_start3A_346 = tpu.memref_slice %arg6[%run_scoped3A_342, %dma_start3A_344, %dma_start3A_345] : memref<4x128x128xf32, #tpu.memory_space<vmem>> -> memref<1x128x128xf32, #tpu.memory_space<vmem>>
        %dma_start3A_347 = tpu.memref_squeeze %dma_start3A_346 : memref<1x128x128xf32, #tpu.memory_space<vmem>> -> memref<128x128xf32, #tpu.memory_space<vmem>>
        %dma_start3A_348 = arith.constant 0 : i32
        %dma_start3A_349 = tpu.memref_slice %arg4[%min3A_341, %dma_start3A_348] : memref<100000x128xf32, #tpu.memory_space<hbm>> -> memref<128x128xf32, #tpu.memory_space<hbm>>
        %dma_start3A_350 = arith.constant 0 : i32
        %dma_start3A_351 = tpu.memref_slice %arg4[%min3A_341, %dma_start3A_350] : memref<100000x128xf32, #tpu.memory_space<hbm>> -> memref<128x128xf32, #tpu.memory_space<hbm>>
        %dma_start3A_352 = arith.constant 0 : i32
        %dma_start3A_353 = arith.constant 0 : i32
        %dma_start3A_354 = tpu.memref_slice %arg6[%run_scoped3A_342, %dma_start3A_352, %dma_start3A_353] : memref<4x128x128xf32, #tpu.memory_space<vmem>> -> memref<1x128x128xf32, #tpu.memory_space<vmem>>
        %dma_start3A_355 = tpu.memref_squeeze %dma_start3A_354 : memref<1x128x128xf32, #tpu.memory_space<vmem>> -> memref<128x128xf32, #tpu.memory_space<vmem>>
        tpu.enqueue_dma source(%dma_start3A_355 : memref<128x128xf32, #tpu.memory_space<vmem>>) target(%dma_start3A_351 : memref<128x128xf32, #tpu.memory_space<hbm>>) target_semaphore(%run_scoped3A_343 : memref<!tpu.dma_semaphore, #tpu.memory_space<semaphore_mem>>)
        %dma_wait3A_356 = arith.constant 0 : i32
        %dma_wait3A_357 = arith.constant 0 : i32
        %dma_wait3A_358 = tpu.memref_slice %arg6[%run_scoped3A_342, %dma_wait3A_356, %dma_wait3A_357] : memref<4x128x128xf32, #tpu.memory_space<vmem>> -> memref<1x128x128xf32, #tpu.memory_space<vmem>>
        %dma_wait3A_359 = tpu.memref_squeeze %dma_wait3A_358 : memref<1x128x128xf32, #tpu.memory_space<vmem>> -> memref<128x128xf32, #tpu.memory_space<vmem>>
        %dma_wait3A_360 = arith.constant 0 : i32
        %dma_wait3A_361 = tpu.memref_slice %arg4[%min3A_341, %dma_wait3A_360] : memref<100000x128xf32, #tpu.memory_space<hbm>> -> memref<128x128xf32, #tpu.memory_space<hbm>>
        %dma_wait3A_362 = arith.constant 0 : i32
        %dma_wait3A_363 = tpu.memref_slice %arg4[%min3A_341, %dma_wait3A_362] : memref<100000x128xf32, #tpu.memory_space<hbm>> -> memref<128x128xf32, #tpu.memory_space<hbm>>
        %dma_wait3A_364 = arith.constant 0 : i32
        %dma_wait3A_365 = arith.constant 0 : i32
        %dma_wait3A_366 = tpu.memref_slice %arg6[%run_scoped3A_342, %dma_wait3A_364, %dma_wait3A_365] : memref<4x128x128xf32, #tpu.memory_space<vmem>> -> memref<1x128x128xf32, #tpu.memory_space<vmem>>
        %dma_wait3A_367 = tpu.memref_squeeze %dma_wait3A_366 : memref<1x128x128xf32, #tpu.memory_space<vmem>> -> memref<128x128xf32, #tpu.memory_space<vmem>>
        tpu.wait_dma2 semaphore(%run_scoped3A_343 : memref<!tpu.dma_semaphore, #tpu.memory_space<semaphore_mem>>) src(%dma_wait3A_367 : memref<128x128xf32, #tpu.memory_space<vmem>>) dst(%dma_wait3A_363 : memref<128x128xf32, #tpu.memory_space<hbm>>)
        tpu.yield
      }) : () -> ()
    }
    %scan3A_112 = arith.constant 5 : i32
    %add3A_113 = arith.constant 2816 : i32
    %add3A_114 = arith.addi %mul3A_2, %add3A_113 : i32
    %min3A_115 = arith.constant 99872 : i32
    %min3A_116 = arith.minsi %add3A_114, %min3A_115 : i32
    %sub3A_117 = arith.subi %min3A_116, %min3A_3 : i32
    %dma_wait3A_118 = arith.constant 2 : i32
    %dma_wait3A_119 = arith.constant 0 : i32
    %dma_wait3A_120 = arith.constant 0 : i32
    %dma_wait3A_121 = tpu.memref_slice %arg6[%dma_wait3A_118, %dma_wait3A_119, %dma_wait3A_120] : memref<4x128x128xf32, #tpu.memory_space<vmem>> -> memref<1x128x128xf32, #tpu.memory_space<vmem>>
    %dma_wait3A_122 = tpu.memref_squeeze %dma_wait3A_121 : memref<1x128x128xf32, #tpu.memory_space<vmem>> -> memref<128x128xf32, #tpu.memory_space<vmem>>
    %dma_wait3A_123 = tpu.memref_slice %arg5[%sub3A_117] : memref<3200xi32, #tpu.memory_space<vmem>> -> memref<128xi32, #tpu.memory_space<vmem>>
    %dma_wait3A_124 = arith.constant 0 : i32
    %dma_wait3A_125 = arith.constant 0 : i32
    %dma_wait3A_126 = tpu.memref_slice %arg2[%dma_wait3A_124, %dma_wait3A_125] : memref<100008x128xf32, #tpu.memory_space<hbm>> -> memref<100008x128xf32, #tpu.memory_space<hbm>>
    tpu.wait_indirect_dma semaphore(%arg9 : memref<!tpu.dma_semaphore, #tpu.memory_space<semaphore_mem>>) src(%dma_wait3A_126 : memref<100008x128xf32, #tpu.memory_space<hbm>>) dst(%dma_wait3A_122 : memref<128x128xf32, #tpu.memory_space<vmem>>)
    %add3A_127 = arith.constant 2816 : i32
    %add3A_128 = arith.addi %mul3A_2, %add3A_127 : i32
    %min3A_129 = arith.constant 99872 : i32
    %min3A_130 = arith.minsi %add3A_128, %min3A_129 : i32
    %run_scoped3A_131 = arith.constant 2 : i32
    "tpu.region"() ({
      %run_scoped3A_170 = tpu.sem_alloc : memref<!tpu.dma_semaphore, #tpu.memory_space<semaphore_mem>>
      %dma_start3A_171 = arith.constant 0 : i32
      %dma_start3A_172 = arith.constant 0 : i32
      %dma_start3A_173 = tpu.memref_slice %arg6[%run_scoped3A_131, %dma_start3A_171, %dma_start3A_172] : memref<4x128x128xf32, #tpu.memory_space<vmem>> -> memref<1x128x128xf32, #tpu.memory_space<vmem>>
      %dma_start3A_174 = tpu.memref_squeeze %dma_start3A_173 : memref<1x128x128xf32, #tpu.memory_space<vmem>> -> memref<128x128xf32, #tpu.memory_space<vmem>>
      %dma_start3A_175 = arith.constant 0 : i32
      %dma_start3A_176 = tpu.memref_slice %arg4[%min3A_130, %dma_start3A_175] : memref<100000x128xf32, #tpu.memory_space<hbm>> -> memref<128x128xf32, #tpu.memory_space<hbm>>
      %dma_start3A_177 = arith.constant 0 : i32
      %dma_start3A_178 = tpu.memref_slice %arg4[%min3A_130, %dma_start3A_177] : memref<100000x128xf32, #tpu.memory_space<hbm>> -> memref<128x128xf32, #tpu.memory_space<hbm>>
      %dma_start3A_179 = arith.constant 0 : i32
      %dma_start3A_180 = arith.constant 0 : i32
      %dma_start3A_181 = tpu.memref_slice %arg6[%run_scoped3A_131, %dma_start3A_179, %dma_start3A_180] : memref<4x128x128xf32, #tpu.memory_space<vmem>> -> memref<1x128x128xf32, #tpu.memory_space<vmem>>
      %dma_start3A_182 = tpu.memref_squeeze %dma_start3A_181 : memref<1x128x128xf32, #tpu.memory_space<vmem>> -> memref<128x128xf32, #tpu.memory_space<vmem>>
      tpu.enqueue_dma source(%dma_start3A_182 : memref<128x128xf32, #tpu.memory_space<vmem>>) target(%dma_start3A_178 : memref<128x128xf32, #tpu.memory_space<hbm>>) target_semaphore(%run_scoped3A_170 : memref<!tpu.dma_semaphore, #tpu.memory_space<semaphore_mem>>)
      %dma_wait3A_183 = arith.constant 0 : i32
      %dma_wait3A_184 = arith.constant 0 : i32
      %dma_wait3A_185 = tpu.memref_slice %arg6[%run_scoped3A_131, %dma_wait3A_183, %dma_wait3A_184] : memref<4x128x128xf32, #tpu.memory_space<vmem>> -> memref<1x128x128xf32, #tpu.memory_space<vmem>>
      %dma_wait3A_186 = tpu.memref_squeeze %dma_wait3A_185 : memref<1x128x128xf32, #tpu.memory_space<vmem>> -> memref<128x128xf32, #tpu.memory_space<vmem>>
      %dma_wait3A_187 = arith.constant 0 : i32
      %dma_wait3A_188 = tpu.memref_slice %arg4[%min3A_130, %dma_wait3A_187] : memref<100000x128xf32, #tpu.memory_space<hbm>> -> memref<128x128xf32, #tpu.memory_space<hbm>>
      %dma_wait3A_189 = arith.constant 0 : i32
      %dma_wait3A_190 = tpu.memref_slice %arg4[%min3A_130, %dma_wait3A_189] : memref<100000x128xf32, #tpu.memory_space<hbm>> -> memref<128x128xf32, #tpu.memory_space<hbm>>
      %dma_wait3A_191 = arith.constant 0 : i32
      %dma_wait3A_192 = arith.constant 0 : i32
      %dma_wait3A_193 = tpu.memref_slice %arg6[%run_scoped3A_131, %dma_wait3A_191, %dma_wait3A_192] : memref<4x128x128xf32, #tpu.memory_space<vmem>> -> memref<1x128x128xf32, #tpu.memory_space<vmem>>
      %dma_wait3A_194 = tpu.memref_squeeze %dma_wait3A_193 : memref<1x128x128xf32, #tpu.memory_space<vmem>> -> memref<128x128xf32, #tpu.memory_space<vmem>>
      tpu.wait_dma2 semaphore(%run_scoped3A_170 : memref<!tpu.dma_semaphore, #tpu.memory_space<semaphore_mem>>) src(%dma_wait3A_194 : memref<128x128xf32, #tpu.memory_space<vmem>>) dst(%dma_wait3A_190 : memref<128x128xf32, #tpu.memory_space<hbm>>)
      tpu.yield
    }) : () -> ()
    %add3A_132 = arith.constant 2944 : i32
    %add3A_133 = arith.addi %mul3A_2, %add3A_132 : i32
    %min3A_134 = arith.constant 99872 : i32
    %min3A_135 = arith.minsi %add3A_133, %min3A_134 : i32
    %sub3A_136 = arith.subi %min3A_135, %min3A_3 : i32
    %dma_wait3A_137 = arith.constant 3 : i32
    %dma_wait3A_138 = arith.constant 0 : i32
    %dma_wait3A_139 = arith.constant 0 : i32
    %dma_wait3A_140 = tpu.memref_slice %arg6[%dma_wait3A_137, %dma_wait3A_138, %dma_wait3A_139] : memref<4x128x128xf32, #tpu.memory_space<vmem>> -> memref<1x128x128xf32, #tpu.memory_space<vmem>>
    %dma_wait3A_141 = tpu.memref_squeeze %dma_wait3A_140 : memref<1x128x128xf32, #tpu.memory_space<vmem>> -> memref<128x128xf32, #tpu.memory_space<vmem>>
    %dma_wait3A_142 = tpu.memref_slice %arg5[%sub3A_136] : memref<3200xi32, #tpu.memory_space<vmem>> -> memref<128xi32, #tpu.memory_space<vmem>>
    %dma_wait3A_143 = arith.constant 0 : i32
    %dma_wait3A_144 = arith.constant 0 : i32
    %dma_wait3A_145 = tpu.memref_slice %arg2[%dma_wait3A_143, %dma_wait3A_144] : memref<100008x128xf32, #tpu.memory_space<hbm>> -> memref<100008x128xf32, #tpu.memory_space<hbm>>
    tpu.wait_indirect_dma semaphore(%arg10 : memref<!tpu.dma_semaphore, #tpu.memory_space<semaphore_mem>>) src(%dma_wait3A_145 : memref<100008x128xf32, #tpu.memory_space<hbm>>) dst(%dma_wait3A_141 : memref<128x128xf32, #tpu.memory_space<vmem>>)
    %add3A_146 = arith.constant 2944 : i32
    %add3A_147 = arith.addi %mul3A_2, %add3A_146 : i32
    %min3A_148 = arith.constant 99872 : i32
    %min3A_149 = arith.minsi %add3A_147, %min3A_148 : i32
    %run_scoped3A_150 = arith.constant 3 : i32
    "tpu.region"() ({
      %run_scoped3A_170 = tpu.sem_alloc : memref<!tpu.dma_semaphore, #tpu.memory_space<semaphore_mem>>
      %dma_start3A_171 = arith.constant 0 : i32
      %dma_start3A_172 = arith.constant 0 : i32
      %dma_start3A_173 = tpu.memref_slice %arg6[%run_scoped3A_150, %dma_start3A_171, %dma_start3A_172] : memref<4x128x128xf32, #tpu.memory_space<vmem>> -> memref<1x128x128xf32, #tpu.memory_space<vmem>>
      %dma_start3A_174 = tpu.memref_squeeze %dma_start3A_173 : memref<1x128x128xf32, #tpu.memory_space<vmem>> -> memref<128x128xf32, #tpu.memory_space<vmem>>
      %dma_start3A_175 = arith.constant 0 : i32
      %dma_start3A_176 = tpu.memref_slice %arg4[%min3A_149, %dma_start3A_175] : memref<100000x128xf32, #tpu.memory_space<hbm>> -> memref<128x128xf32, #tpu.memory_space<hbm>>
      %dma_start3A_177 = arith.constant 0 : i32
      %dma_start3A_178 = tpu.memref_slice %arg4[%min3A_149, %dma_start3A_177] : memref<100000x128xf32, #tpu.memory_space<hbm>> -> memref<128x128xf32, #tpu.memory_space<hbm>>
      %dma_start3A_179 = arith.constant 0 : i32
      %dma_start3A_180 = arith.constant 0 : i32
      %dma_start3A_181 = tpu.memref_slice %arg6[%run_scoped3A_150, %dma_start3A_179, %dma_start3A_180] : memref<4x128x128xf32, #tpu.memory_space<vmem>> -> memref<1x128x128xf32, #tpu.memory_space<vmem>>
      %dma_start3A_182 = tpu.memref_squeeze %dma_start3A_181 : memref<1x128x128xf32, #tpu.memory_space<vmem>> -> memref<128x128xf32, #tpu.memory_space<vmem>>
      tpu.enqueue_dma source(%dma_start3A_182 : memref<128x128xf32, #tpu.memory_space<vmem>>) target(%dma_start3A_178 : memref<128x128xf32, #tpu.memory_space<hbm>>) target_semaphore(%run_scoped3A_170 : memref<!tpu.dma_semaphore, #tpu.memory_space<semaphore_mem>>)
      %dma_wait3A_183 = arith.constant 0 : i32
      %dma_wait3A_184 = arith.constant 0 : i32
      %dma_wait3A_185 = tpu.memref_slice %arg6[%run_scoped3A_150, %dma_wait3A_183, %dma_wait3A_184] : memref<4x128x128xf32, #tpu.memory_space<vmem>> -> memref<1x128x128xf32, #tpu.memory_space<vmem>>
      %dma_wait3A_186 = tpu.memref_squeeze %dma_wait3A_185 : memref<1x128x128xf32, #tpu.memory_space<vmem>> -> memref<128x128xf32, #tpu.memory_space<vmem>>
      %dma_wait3A_187 = arith.constant 0 : i32
      %dma_wait3A_188 = tpu.memref_slice %arg4[%min3A_149, %dma_wait3A_187] : memref<100000x128xf32, #tpu.memory_space<hbm>> -> memref<128x128xf32, #tpu.memory_space<hbm>>
      %dma_wait3A_189 = arith.constant 0 : i32
      %dma_wait3A_190 = tpu.memref_slice %arg4[%min3A_149, %dma_wait3A_189] : memref<100000x128xf32, #tpu.memory_space<hbm>> -> memref<128x128xf32, #tpu.memory_space<hbm>>
      %dma_wait3A_191 = arith.constant 0 : i32
      %dma_wait3A_192 = arith.constant 0 : i32
      %dma_wait3A_193 = tpu.memref_slice %arg6[%run_scoped3A_150, %dma_wait3A_191, %dma_wait3A_192] : memref<4x128x128xf32, #tpu.memory_space<vmem>> -> memref<1x128x128xf32, #tpu.memory_space<vmem>>
      %dma_wait3A_194 = tpu.memref_squeeze %dma_wait3A_193 : memref<1x128x128xf32, #tpu.memory_space<vmem>> -> memref<128x128xf32, #tpu.memory_space<vmem>>
      tpu.wait_dma2 semaphore(%run_scoped3A_170 : memref<!tpu.dma_semaphore, #tpu.memory_space<semaphore_mem>>) src(%dma_wait3A_194 : memref<128x128xf32, #tpu.memory_space<vmem>>) dst(%dma_wait3A_190 : memref<128x128xf32, #tpu.memory_space<hbm>>)
      tpu.yield
    }) : () -> ()
    %add3A_151 = arith.constant 3072 : i32
    %add3A_152 = arith.addi %mul3A_2, %add3A_151 : i32
    %min3A_153 = arith.constant 99872 : i32
    %min3A_154 = arith.minsi %add3A_152, %min3A_153 : i32
    %sub3A_155 = arith.subi %min3A_154, %min3A_3 : i32
    %dma_wait3A_156 = arith.constant 0 : i32
    %dma_wait3A_157 = arith.constant 0 : i32
    %dma_wait3A_158 = arith.constant 0 : i32
    %dma_wait3A_159 = tpu.memref_slice %arg6[%dma_wait3A_156, %dma_wait3A_157, %dma_wait3A_158] : memref<4x128x128xf32, #tpu.memory_space<vmem>> -> memref<1x128x128xf32, #tpu.memory_space<vmem>>
    %dma_wait3A_160 = tpu.memref_squeeze %dma_wait3A_159 : memref<1x128x128xf32, #tpu.memory_space<vmem>> -> memref<128x128xf32, #tpu.memory_space<vmem>>
    %dma_wait3A_161 = tpu.memref_slice %arg5[%sub3A_155] : memref<3200xi32, #tpu.memory_space<vmem>> -> memref<128xi32, #tpu.memory_space<vmem>>
    %dma_wait3A_162 = arith.constant 0 : i32
    %dma_wait3A_163 = arith.constant 0 : i32
    %dma_wait3A_164 = tpu.memref_slice %arg2[%dma_wait3A_162, %dma_wait3A_163] : memref<100008x128xf32, #tpu.memory_space<hbm>> -> memref<100008x128xf32, #tpu.memory_space<hbm>>
    tpu.wait_indirect_dma semaphore(%arg7 : memref<!tpu.dma_semaphore, #tpu.memory_space<semaphore_mem>>) src(%dma_wait3A_164 : memref<100008x128xf32, #tpu.memory_space<hbm>>) dst(%dma_wait3A_160 : memref<128x128xf32, #tpu.memory_space<vmem>>)
    %add3A_165 = arith.constant 3072 : i32
    %add3A_166 = arith.addi %mul3A_2, %add3A_165 : i32
    %min3A_167 = arith.constant 99872 : i32
    %min3A_168 = arith.minsi %add3A_166, %min3A_167 : i32
    %run_scoped3A_169 = arith.constant 0 : i32
    "tpu.region"() ({
      %run_scoped3A_170 = tpu.sem_alloc : memref<!tpu.dma_semaphore, #tpu.memory_space<semaphore_mem>>
      %dma_start3A_171 = arith.constant 0 : i32
      %dma_start3A_172 = arith.constant 0 : i32
      %dma_start3A_173 = tpu.memref_slice %arg6[%run_scoped3A_169, %dma_start3A_171, %dma_start3A_172] : memref<4x128x128xf32, #tpu.memory_space<vmem>> -> memref<1x128x128xf32, #tpu.memory_space<vmem>>
      %dma_start3A_174 = tpu.memref_squeeze %dma_start3A_173 : memref<1x128x128xf32, #tpu.memory_space<vmem>> -> memref<128x128xf32, #tpu.memory_space<vmem>>
      %dma_start3A_175 = arith.constant 0 : i32
      %dma_start3A_176 = tpu.memref_slice %arg4[%min3A_168, %dma_start3A_175] : memref<100000x128xf32, #tpu.memory_space<hbm>> -> memref<128x128xf32, #tpu.memory_space<hbm>>
      %dma_start3A_177 = arith.constant 0 : i32
      %dma_start3A_178 = tpu.memref_slice %arg4[%min3A_168, %dma_start3A_177] : memref<100000x128xf32, #tpu.memory_space<hbm>> -> memref<128x128xf32, #tpu.memory_space<hbm>>
      %dma_start3A_179 = arith.constant 0 : i32
      %dma_start3A_180 = arith.constant 0 : i32
      %dma_start3A_181 = tpu.memref_slice %arg6[%run_scoped3A_169, %dma_start3A_179, %dma_start3A_180] : memref<4x128x128xf32, #tpu.memory_space<vmem>> -> memref<1x128x128xf32, #tpu.memory_space<vmem>>
      %dma_start3A_182 = tpu.memref_squeeze %dma_start3A_181 : memref<1x128x128xf32, #tpu.memory_space<vmem>> -> memref<128x128xf32, #tpu.memory_space<vmem>>
      tpu.enqueue_dma source(%dma_start3A_182 : memref<128x128xf32, #tpu.memory_space<vmem>>) target(%dma_start3A_178 : memref<128x128xf32, #tpu.memory_space<hbm>>) target_semaphore(%run_scoped3A_170 : memref<!tpu.dma_semaphore, #tpu.memory_space<semaphore_mem>>)
      %dma_wait3A_183 = arith.constant 0 : i32
      %dma_wait3A_184 = arith.constant 0 : i32
      %dma_wait3A_185 = tpu.memref_slice %arg6[%run_scoped3A_169, %dma_wait3A_183, %dma_wait3A_184] : memref<4x128x128xf32, #tpu.memory_space<vmem>> -> memref<1x128x128xf32, #tpu.memory_space<vmem>>
      %dma_wait3A_186 = tpu.memref_squeeze %dma_wait3A_185 : memref<1x128x128xf32, #tpu.memory_space<vmem>> -> memref<128x128xf32, #tpu.memory_space<vmem>>
      %dma_wait3A_187 = arith.constant 0 : i32
      %dma_wait3A_188 = tpu.memref_slice %arg4[%min3A_168, %dma_wait3A_187] : memref<100000x128xf32, #tpu.memory_space<hbm>> -> memref<128x128xf32, #tpu.memory_space<hbm>>
      %dma_wait3A_189 = arith.constant 0 : i32
      %dma_wait3A_190 = tpu.memref_slice %arg4[%min3A_168, %dma_wait3A_189] : memref<100000x128xf32, #tpu.memory_space<hbm>> -> memref<128x128xf32, #tpu.memory_space<hbm>>
      %dma_wait3A_191 = arith.constant 0 : i32
      %dma_wait3A_192 = arith.constant 0 : i32
      %dma_wait3A_193 = tpu.memref_slice %arg6[%run_scoped3A_169, %dma_wait3A_191, %dma_wait3A_192] : memref<4x128x128xf32, #tpu.memory_space<vmem>> -> memref<1x128x128xf32, #tpu.memory_space<vmem>>
      %dma_wait3A_194 = tpu.memref_squeeze %dma_wait3A_193 : memref<1x128x128xf32, #tpu.memory_space<vmem>> -> memref<128x128xf32, #tpu.memory_space<vmem>>
      tpu.wait_dma2 semaphore(%run_scoped3A_170 : memref<!tpu.dma_semaphore, #tpu.memory_space<semaphore_mem>>) src(%dma_wait3A_194 : memref<128x128xf32, #tpu.memory_space<vmem>>) dst(%dma_wait3A_190 : memref<128x128xf32, #tpu.memory_space<hbm>>)
      tpu.yield
    }) : () -> ()
    return
  }
}

module attributes {stable_mosaic.version = 14 : i64} {
  func.func @body(%arg0: i32, %arg1: memref<64x16384xf32, #tpu.memory_space<vmem>>, %arg2: memref<128x64xf32, #tpu.memory_space<vmem>>, %arg3: memref<1x128xf32, #tpu.memory_space<vmem>>, %arg4: memref<16384x128xf32, #tpu.memory_space<vmem>>) attributes {dimension_semantics = [#tpu.dimension_semantics<arbitrary>], iteration_bounds = array<i64: 7>, scalar_prefetch = 0 : i64, scratch_operands = 0 : i64, tpu.core_type = #tpu.core_type<tc>, window_params = [{transform_indices = @transform_0, window_bounds = array<i64: 64, 16384>}, {pipeline_mode = #tpu.pipeline_mode<synchronous>, transform_indices = @transform_1, window_bounds = array<i64: 128, 64>}, {pipeline_mode = #tpu.pipeline_mode<synchronous>, transform_indices = @transform_2, window_bounds = array<i64: 1, 128>}, {transform_indices = @transform_3, window_bounds = array<i64: 16384, 128>}]} {
    %get3A = arith.constant 0 : index
    %get3A_0 = arith.constant 0 : index
    %get3A_1 = vector.load %arg1[%get3A, %get3A_0] : memref<64x16384xf32, #tpu.memory_space<vmem>>, vector<64x16384xf32>
    %get3A_2 = arith.constant 0 : index
    %get3A_3 = arith.constant 0 : index
    %get3A_4 = vector.load %arg2[%get3A_2, %get3A_3] : memref<128x64xf32, #tpu.memory_space<vmem>>, vector<128x64xf32>
    %dot_general3A = arith.constant dense<0.000000e+00> : vector<16384x128xf32>
    %dot_general3A_5 = tpu.matmul %get3A_1, %get3A_4, %dot_general3A {dimension_numbers = #tpu.dot_dimension_numbers<[0], [1], [1], [0], [0, 1, 1, 0], [], []>, transpose_lhs_hint = false} : vector<64x16384xf32>, vector<128x64xf32>, vector<16384x128xf32> -> vector<16384x128xf32>
    %get3A_6 = arith.constant 0 : index
    %get3A_7 = arith.constant 0 : index
    %get3A_8 = vector.load %arg3[%get3A_6, %get3A_7] : memref<1x128xf32, #tpu.memory_space<vmem>>, vector<1x128xf32>
    %add3A = vector.broadcast %get3A_8 : vector<1x128xf32> to vector<16384x128xf32>
    %add3A_9 = arith.addf %dot_general3A_5, %add3A : vector<16384x128xf32>
    %swap3A = arith.constant 0 : index
    %swap3A_10 = arith.constant 0 : index
    %swap3A_11 = vector.load %arg4[%swap3A, %swap3A_10] : memref<16384x128xf32, #tpu.memory_space<vmem>>, vector<16384x128xf32>
    tpu.vector_store %arg4[%swap3A, %swap3A_10], %add3A_9 {strides = array<i32>} : memref<16384x128xf32, #tpu.memory_space<vmem>>, vector<16384x128xf32>,
    return
  }
  func.func @transform_0(%arg0: i32) -> (i32, i32) {
    %c0_i32 = arith.constant 0 : i32
    %c0_i32_0 = arith.constant 0 : i32
    return %c0_i32, %arg0 : i32, i32
  }
  func.func @transform_1(%arg0: i32) -> (i32, i32) {
    %c0_i32 = arith.constant 0 : i32
    %c0_i32_0 = arith.constant 0 : i32
    %c0_i32_1 = arith.constant 0 : i32
    return %c0_i32, %c0_i32_0 : i32, i32
  }
  func.func @transform_2(%arg0: i32) -> (i32, i32) {
    %c0_i32 = arith.constant 0 : i32
    %c0_i32_0 = arith.constant 0 : i32
    %c0_i32_1 = arith.constant 0 : i32
    return %c0_i32, %c0_i32_0 : i32, i32
  }
  func.func @transform_3(%arg0: i32) -> (i32, i32) {
    %c0_i32 = arith.constant 0 : i32
    %c0_i32_0 = arith.constant 0 : i32
    return %arg0, %c0_i32 : i32, i32
  }
}

module attributes {stable_mosaic.version = 14 : i64} {
  func.func @body(%arg0: i32, %arg1: memref<64x64xf32, #tpu.memory_space<vmem>>, %arg2: memref<16384x128xf32, #tpu.memory_space<vmem>>, %arg3: memref<64x16384xf32, #tpu.memory_space<vmem>>) attributes {dimension_semantics = [#tpu.dimension_semantics<arbitrary>], iteration_bounds = array<i64: 7>, scalar_prefetch = 0 : i64, scratch_operands = 0 : i64, tpu.core_type = #tpu.core_type<tc>, window_params = [{pipeline_mode = #tpu.pipeline_mode<synchronous>, transform_indices = @transform_0, window_bounds = array<i64: 64, 64>}, {transform_indices = @transform_1, window_bounds = array<i64: 16384, 128>}, {transform_indices = @transform_2, window_bounds = array<i64: 64, 16384>}]} {
    %get3A = arith.constant 0 : index
    %get3A_0 = arith.constant 0 : index
    %get3A_1 = vector.load %arg1[%get3A, %get3A_0] : memref<64x64xf32, #tpu.memory_space<vmem>>, vector<64x64xf32>
    %get3A_2 = arith.constant 0 : index
    %get3A_3 = arith.constant 0 : index
    %get3A_4 = vector.load %arg2[%get3A_2, %get3A_3] : memref<16384x128xf32, #tpu.memory_space<vmem>>, vector<16384x64xf32>
    %dot_general3A = arith.constant dense<0.000000e+00> : vector<64x16384xf32>
    %dot_general3A_5 = tpu.matmul %get3A_1, %get3A_4, %dot_general3A {dimension_numbers = #tpu.dot_dimension_numbers<[1], [1], [0], [0], [0, 0, 1, 0], [], []>, transpose_lhs_hint = false} : vector<64x64xf32>, vector<16384x64xf32>, vector<64x16384xf32> -> vector<64x16384xf32>
    %swap3A = arith.constant 0 : index
    %swap3A_6 = arith.constant 0 : index
    %swap3A_7 = vector.load %arg3[%swap3A, %swap3A_6] : memref<64x16384xf32, #tpu.memory_space<vmem>>, vector<64x16384xf32>
    tpu.vector_store %arg3[%swap3A, %swap3A_6], %dot_general3A_5 {strides = array<i32>} : memref<64x16384xf32, #tpu.memory_space<vmem>>, vector<64x16384xf32>,
    return
  }
  func.func @transform_0(%arg0: i32) -> (i32, i32) {
    %c0_i32 = arith.constant 0 : i32
    %c0_i32_0 = arith.constant 0 : i32
    %c0_i32_1 = arith.constant 0 : i32
    return %c0_i32, %c0_i32_0 : i32, i32
  }
  func.func @transform_1(%arg0: i32) -> (i32, i32) {
    %c0_i32 = arith.constant 0 : i32
    %c0_i32_0 = arith.constant 0 : i32
    return %arg0, %c0_i32 : i32, i32
  }
  func.func @transform_2(%arg0: i32) -> (i32, i32) {
    %c0_i32 = arith.constant 0 : i32
    %c0_i32_0 = arith.constant 0 : i32
    return %c0_i32, %arg0 : i32, i32
  }
}

</mosaic_0001>

<sc_bundles>
// kernel: kernel.5.cloned.1.call-start
scs
__scs_entry_jumppad:
0x0: {  	(pc) =	sbr.rel $0x88, $3  }
0x1: {  	(tag) =	ssettag $0x0;
	lr =	simm.s32 $0x1  }
0x2: {  	[smem:$0x3F9C] =	sst lr;
	_ =	strace $0xD0000000  }
0x3: {  	_ = 	snop  }
0x4: {  	_ = 	snop  }
0x5: {  	_ = 	snop  }
0x6: {  	_ = 	snop  }
0x7: {  	_ = 	snop  }
__scs_overlays_trampoline_lowered:
0x8: {  	[smem:$0x3FAB] =	sst s0  }
0x9: {  	[smem:$0x3FAC] =	sst s1  }
0xa: {  	[smem:$0x3FAD] =	sst s2  }
0xb: {  	[smem:$0x3FAE] =	sst s3  }
0xc: {  	[smem:$0x3FAF] =	sst s4  }
0xd: {  	[smem:$0x3FB0] =	sst s5  }
0xe: {  	[smem:$0x3FB1] =	sst s6  }
0xf: {  	[smem:$0x3FB2] =	sst s7  }
0x10: {  	[smem:$0x3FB3] =	sst s8  }
0x11: {  	[smem:$0x3FB4] =	sst s9;
	s0 =	simm.s32 @!p0 $0x0  }
0x12: {  	s1 =	sld [smem:$0x3F9A];
	s0 =	simm.s32 @p0 $0x1  }
0x13: {  	[smem:$0x3FB5] =	sst s0;
	s0 =	simm.s32 @!p1 $0x0  }
0x14: {  	s2 =	sld [smem:$0x3F99];
	s0 =	simm.s32 @p1 $0x1  }
0x15: {  	[smem:$0x3FB6] =	sst s0;
	s0 =	simm.s32 @!p2 $0x0  }
0x16: {  	s3 =	sld [smem:$0x3FDB];
	s0 =	simm.s32 @p2 $0x1  }
0x17: {  	s4 =	simm.s32 $0x1BF5;
	[smem:$0x3FB8] =	sst s0  }
0x18: {  	s0 =	sld [smem:$0x3F9B];
	_ =	swait.ge [sflag:s4], $0x0  }
0x19: {  	s7 =	sld [smem:$0x3F9C]  }
0x1a: {  	s8 =	sadd.s32 $0xFFFFE003, lr  }
0x1b: {  	s9 =	sadd.s32 $0xFFFFFEF7, lr;
	s5 =	simm.s32 $0xFFFFFFFF;
	p2 =	slt.u32 s8, $0xFFFFF086  }
0x1c: {  	p1 =	slt.u32 s9, $0xF7A;
	s5 =	simm.s32 @!p2 $0x0  }
0x1d: {  	s5 =	simm.s32 @p1 $0x1;
	p0 =	seq.s32 s7, s2  }
0x1e: {  	s7 =	smul.u32 @!p0 $0xF7A, s2;
	p2 =	seq.s32 @!p0 s5, $0x0  }
0x1f: {  	s9 =	smul.u32 $0xF7A, s1;
	s8 =	simm.s32 @!p0 $0x1BF5;
	p2 =	por !p2, p0  }
0x20: {  	[sflag:s8] =	ssyncset.s32 @!p0 $0xFFFFF086;
	s6 =	sadd.s32 @!p0 s3, s7;
	s7 =	simm.s32 @!p0 $0x108  }
0x21: {  	s3 =	sadd.s32 s3, s9;
	s6 =	sadd.s32 @!p0 $0x88, s6;
	s7 =	simm.s32 @p2 $0x1082  }
0x22: {  	[simem:s7], [sflag:s8] =	dma.local @!p0 [hbm:s6], $0xF7A  }
0x23: {  	s9 =	sor.u32 $0xD0000000, s2;
	s6 =	simm.s32 $0x108;
	_ =	swait.ge @!p0 [sflag:s8], $0x0  }
0x24: {  	s3 =	sadd.s32 $0x88, s3;
	s6 =	simm.s32 @!p1 $0x1082;
	[sflag:s4] =	ssyncset.s32 $0xFFFFF086  }
0x25: {  	[simem:s6], [sflag:s4] =	dma.local [hbm:s3], $0xF7A  }
0x26: {  	[smem:$0x3F9C] =	sst s1;
	(tag) =	ssettag s2;
	_ =	strace s9  }
0x27: {  	s1 =	sld [smem:$0x3FAC]  }
0x28: {  	s2 =	sld [smem:$0x3FAD]  }
0x29: {  	s4 =	sld [smem:$0x3FAF]  }
0x2a: {  	p0 =	seq.s32 s5, $0x0;
	s5 =	sld [smem:$0x3FB0]  }
0x2b: {  	s6 =	sld [smem:$0x3FB1]  }
0x2c: {  	s7 =	sld [smem:$0x3FB2]  }
0x2d: {  	s3 =	simm.s32 $0x108;
	s8 =	sld [smem:$0x3FB3]  }
0x2e: {  	s3 =	simm.s32 @!p0 $0x1082;
	s9 =	sld [smem:$0x3FB4]  }
0x2f: {  	lr =	sadd.s32 s0, s3;
	s0 =	sld [smem:$0x3FAB]  }
0x30: {  	s3 =	sld [smem:$0x3FAE]  }
0x31: {  	[smem:$0x3FB7] =	sst s10  }
0x32: {  	s10 =	sld [smem:$0x3FB5];
	_ =	sdelay $0x3  }
0x33: {  	p0 =	seq.s32 s10, $0x1;
	s10 =	sld [smem:$0x3FB7];
	_ =	sdelay $0x3  }
0x34: {  	[smem:$0x3FB7] =	sst s10  }
0x35: {  	s10 =	sld [smem:$0x3FB6];
	_ =	sdelay $0x3  }
0x36: {  	p1 =	seq.s32 s10, $0x1;
	s10 =	sld [smem:$0x3FB7];
	_ =	sdelay $0x3  }
0x37: {  	[smem:$0x3FB7] =	sst s10  }
0x38: {  	s10 =	sld [smem:$0x3FB8]  }
0x39: {  	_ = 	snop;
	(pc) =	sbr.ind lr, $3  }
0x3a: {  	_ = 	snop  }
0x3b: {  	_ = 	snop  }
0x3c: {  	p2 =	seq.s32 s10, $0x1;
	s10 =	sld [smem:$0x3FB7]  }
0x3d: {  	_ =	shalt  }
0x3e: {  	_ =	shalt  }
0x3f: {  	_ =	shalt  }
0x40: {  	_ =	shalt  }
0x41: {  	_ =	shalt  }
0x42: {  	_ =	shalt  }
0x43: {  	_ =	shalt  }
0x44: {  	_ =	shalt  }
0x45: {  	_ =	shalt  }
0x46: {  	_ =	shalt  }
0x47: {  	_ =	shalt  }
0x48: {  	_ =	shalt  }
0x49: {  	_ =	shalt  }
0x4a: {  	_ =	shalt  }
0x4b: {  	_ =	shalt  }
0x4c: {  	_ =	shalt  }
0x4d: {  	_ =	shalt  }
0x4e: {  	_ =	shalt  }
0x4f: {  	_ =	shalt  }
0x50: {  	_ =	shalt  }
0x51: {  	_ =	shalt  }
0x52: {  	_ =	shalt  }
0x53: {  	_ =	shalt  }
0x54: {  	_ =	shalt  }
0x55: {  	_ =	shalt  }
0x56: {  	_ =	shalt  }
0x57: {  	_ =	shalt  }
0x58: {  	_ =	shalt  }
0x59: {  	_ =	shalt  }
0x5a: {  	_ =	shalt  }
0x5b: {  	_ =	shalt  }
0x5c: {  	_ =	shalt  }
0x5d: {  	_ =	shalt  }
0x5e: {  	_ =	shalt  }
0x5f: {  	_ =	shalt  }
0x60: {  	_ =	shalt  }
0x61: {  	_ =	shalt  }
0x62: {  	_ =	shalt  }
0x63: {  	_ =	shalt  }
0x64: {  	_ =	shalt  }
0x65: {  	_ =	shalt  }
0x66: {  	_ =	shalt  }
0x67: {  	_ =	shalt  }
0x68: {  	_ =	shalt  }
0x69: {  	_ =	shalt  }
0x6a: {  	_ =	shalt  }
0x6b: {  	_ =	shalt  }
0x6c: {  	_ =	shalt  }
0x6d: {  	_ =	shalt  }
0x6e: {  	_ =	shalt  }
0x6f: {  	_ =	shalt  }
0x70: {  	_ =	shalt  }
0x71: {  	_ =	shalt  }
0x72: {  	_ =	shalt  }
0x73: {  	_ =	shalt  }
0x74: {  	_ =	shalt  }
0x75: {  	_ =	shalt  }
0x76: {  	_ =	shalt  }
0x77: {  	_ =	shalt  }
0x78: {  	_ =	shalt  }
0x79: {  	_ =	shalt  }
0x7a: {  	_ =	shalt  }
0x7b: {  	_ =	shalt  }
0x7c: {  	_ =	shalt  }
0x7d: {  	_ =	shalt  }
0x7e: {  	_ =	shalt  }
0x7f: {  	_ =	shalt  }
0x80: {  	_ =	shalt  }
0x81: {  	_ =	shalt  }
0x82: {  	_ =	shalt  }
0x83: {  	_ =	shalt  }
0x84: {  	_ =	shalt  }
0x85: {  	_ =	shalt  }
0x86: {  	_ =	shalt  }
0x87: {  	_ =	shalt  }
.Lfunc_end0:
.L_simem_size_0:
called_computation_lowered:
.L_overlay_start_0:
0x88: {  	s2 =	sld [smem:$0x3FD9]  }
0x89: {  	s3 =	sld [smem:$0x3FFE];
	_ =	sdelay $0x1  }
0x8a: {  	s1 =	srdreg.scid  }
0x8b: {  	s0 =	sand.u32 $0x1, s1  }
0x8c: {  	s17 =	sshll.u32 s0, $0xA;
	s2 =	sadd.s32 s3, s2  }
0x8d: {  	s2 =	sadd.s32 s2, s17  }
0x8e: {  	[smem:$0x3FC3] =	sst s2  }
0x8f: {  	_ = 	snop  }
0x90: {  	s2 =	sld [smem:$0x3FD0];
	(tm) =	ssettm $0x1  }
0x91: {  	s18 =	sld [smem:$0x3FFB];
	_ =	sdelay $0x3  }
0x92: {  	_ =	strace s18  }
0x93: {  	s3 =	sld [smem:$0x3FFC];
	_ =	sdelay $0x3  }
0x94: {  	_ =	strace s3  }
0x95: {  	s3 =	sld [smem:$0x3FFD];
	_ =	sdelay $0x3  }
0x96: {  	_ =	strace s3  }
0x97: {  	_ =	strace $0x8FFFFFFF  }
0x98: {  	s19 =	sld [smem:$0x3FDB];
	_ =	sdelay $0x1  }
0x99: {  	s4 =	simm.s32 $_scs_section_size  }
0x9a: {  	s5 =	simm.s32 $_size__tile_overlayer_lowered;
	s6 =	simm.s32 $_tile_overlayer_lowered  }
0x9b: {  	s22 =	simm.s32 $0x1BFF;
	s21 =	sshll.u32 s6, $0x1;
	s3 =	sadd.s32 s4, s19  }
0x9c: {  	s7 =	simm.s32 $0x0;
	s20 =	sshll.u32 s5, $0x1;
	s5 =	sadd.s32 s21, s3  }
0x9d: {  	[timem:s7], [sflag:s22] =	dma.local [hbm:s5], s20  }
0x9e: {  	_ =	swait.ge [sflag:s22], s20  }
0x9f: {  	s4 =	ssub.s32 $0x0, s20;
	[sflag:s22] =	ssyncset.done $0x0  }
0xa0: {  	[sflag:s22] =	ssyncadd.s32 s4;
	_ =	sdelay $0x1  }
0xa1: {  	s23 =	simm.s32 $0x1B8B  }
0xa2: {  	_ =	swait.ge [sflag:s23], $0x1  }
0xa3: {  	[sflag:s23] =	ssyncset.done $0x0  }
0xa4: {  	s25 =	simm.s32 $0x1B8E;
	s24 =	sld [smem:$0x3FFE];
	[sflag:s23] =	ssyncadd.s32 $0xFFFFFFFF  }
0xa5: {  	s26 =	simm.s32 $execute0_lowered;
	[smem:$0x3FD2] =	sst s25  }
0xa6: {  	s5 =	sshll.u32 s26, $0x1;
	_ =	strace $0x80000046;
	[dreg:$0x1] =	wrdreg $0xFFFFFFFF  }
0xa7: {  	s28 =	simm.s32 $_size_execute0_lowered;
	s3 =	sadd.s32 s3, s5;
	[dreg:$0x0] =	wrdreg $0x0  }
0xa8: {  	s5 =	sshll.u32 s28, $0x1;
	[dreg:$0x2] =	wrdreg s3  }
0xa9: {  	[dreg:$0x3] =	wrdreg s5  }
0xaa: {  	[dreg:$0x4] =	wrdreg $0xC0  }
0xab: {  	_ =	task [dreg:s7], $0x5FFFF  }
0xac: {  	[dreg:$0x1] =	wrdreg $0xFFFFFFFF  }
0xad: {  	[dreg:$0x0] =	wrdreg $0x60  }
0xae: {  	[dreg:$0x2] =	wrdreg s24  }
0xaf: {  	[dreg:$0x3] =	wrdreg s2  }
0xb0: {  	[dreg:$0x4] =	wrdreg $0x9  }
0xb1: {  	_ =	task.clear_ibuf [dreg:s7], $0x5FFFF;
	_ =	strace $0x90000046  }
0xb2: {  	s29 =	simm.s32 $0x9;
	_ =	strace $0x80000048  }
0xb3: {  	_ =	swait.ge [sflag:s29], $0x1  }
0xb4: {  	[sflag:s29] =	ssyncadd.s32 $0xFFFFFFFF  }
0xb5: {  	_ =	strace $0x90000048  }
0xb6: {  	_ =	sfence  }
0xb7: {  	s30 =	sld [smem:$0x0];
	_ =	sdelay $0x2  }
0xb8: {  	s31 =	sshll.u32 s1, $0xD;
	s1 =	sshrl.u32 s1, $0x2  }
0xb9: {  	s3 =	sand.u32 $0x4000, s31;
	s1 =	sadd.s32 s1, s30  }
0xba: {  	s0 =	sor.u32 s3, s0;
	s1 =	sshll.u32 s1, $0x11  }
0xbb: {  	s0 =	sor.u32 s1, s0  }
0xbc: {  	s0 =	sadd.s32 $0x8F2B, s0  }
0xbd: {  	[sflag:s0] =	ssyncadd.remote.s32 $0x1  }
0xbe: {  	_ =	sfence.sel $0xFFFF  }
0xbf: {  	[dreg:$0x0] =	wrdreg $0xFFFFFFFF;
	(pc) =	sbr.abs _section_cstart, $3  }
0xc0: {  	[dreg:$0x1] =	wrdreg $0xFFFFFFFF  }
0xc1: {  	_ =	task.clear_ibuf [dreg:s7], $0x2FFFF;
	_ =	strace $0x9FFFFFFF  }
0xc2: {  	(tm) =	ssettm $0x7FFFFFFF  }
0xc3: {  	_ =	shalt  }
tec
execute0_lowered:
.L_overlay_start_1:
0x0: {  	(tag) =	ssettag $0x1  }
0x1: {  	s1 =	rddreg [dreg:$0x0]  }
0x2: {  	s2 =	srdreg.scid;
	s0 =	stileid.u32  }
0x3: {  	s6 =	rddreg [dreg:$0x1];
	s20 =	simm.s32 $0xC80;
	s21 =	simm.s32 $0x4C80  }
0x4: {  	s28 =	simm.s32 $0x4;
	s29 =	simm.s32 $0x0;
	s14 =	sand.u32 $0x1, s2  }
0x5: {  	s3 =	sshll.u32 s0, $0x1;
	s2 =	simm.s32 $0x0;
	s4 =	sadd.s32 $0x187000, s1  }
0x6: {  	s18 =	smul.u32 $0x1900, s0;
	s7 =	sor.u32 s14, s3;
	[smem:$0x7FF] =	sst s2  }
0x7: {  	s5 =	ssub.s32 $0x2, s14;
	s3 =	sadd.s32 $0x400, s1;
	s19 =	smul.u32 $0xC80, s14  }
0x8: {  	s15 =	smul.u32 $0xC80, s7;
	_ =	strace $0x80000047;
	s8 =	sshrl.u32 s5, $0x1  }
0x9: {  	s11 =	smul.u32 $0xC800, s7;
	s22 =	ssub.s32 s5, s8;
	s31 =	sadd.s32 s19, s18  }
0xa: {  	s18 =	simm.s32 $0x5;
	s19 =	simm.s32 $0x80;
	s5 =	smin.u32 s15, $0x17A20  }
0xb: {  	s13 =	sadd.s32 $0x80, s15;
	s11 =	sadd.s32 s4, s11;
	s16 =	smin.u32 s15, $0x17B20  }
0xc: {  	[dreg:$0x3] =	wrdreg s31;
	s23 =	sshrl.u32 s5, $0x3;
	s7 =	ssub.s32 s15, s5  }
0xd: {  	s24 =	ssub.s32 s13, s5;
	s13 =	sshll.u32 s13, $0x4;
	s16 =	sshll.u32 s16, $0x4  }
0xe: {  	s15 =	smin.u32 s15, $0x17AA0;
	s17 =	sshll.u32 s5, $0x4;
	s6 =	sadd.s32 s6, s23  }
0xf: {  	[dreg:$0x5] =	wrdreg s24;
	s25 =	sadd.s32 $0x100, s7;
	s26 =	sadd.s32 $0x180, s7  }
0x10: {  	s12 =	sadd.s32 $0x200, s7;
	s13 =	sadd.s32 s4, s13;
	s16 =	sadd.s32 s16, s4  }
0x11: {  	s15 =	sshll.u32 s15, $0x4;
	s30 =	sadd.s32 s17, s4;
	[dreg:$0x4] =	wrdreg s6  }
0x12: {  	s17 =	smax.u32 s22, $0x1;
	s22 =	simm.s32 $0x8C80;
	[dreg:$0x6] =	wrdreg s25  }
0x13: {  	s23 =	simm.s32 $0xCC80;
	s24 =	simm.s32 $0x1;
	[dreg:$0x7] =	wrdreg s26  }
0x14: {  	s15 =	sadd.s32 s15, s4;
	s14 =	sadd.s32 $0xB000, s16;
	s16 =	sadd.s32 $0xC000, s30  }
0x15: {  	s25 =	simm.s32 $0x2;
	s26 =	simm.s32 $0x3;
	s15 =	sadd.s32 $0xB800, s15  }
.LBB2_1:
0x16: {  	s0 =	rddreg [dreg:$0x4]  }
0x17: {  	[tilespmem:s2], [sflag:$0x5] =	stream.linear.gather [hbm4b:s0+s2], $0xC80, $0x38;
	[tilespmem:$0x10C80] =	vst v63  }
0x18: {  	_ =	swait.ge [sflag:s18], $0xC80  }
0x19: {  	[sflag:s18] =	ssyncset.done $0x0  }
0x1a: {  	[sflag:s18] =	ssyncadd.s32 $0xFFFFF380  }
0x1b: {  	[tilespmem:s20], [sflag:$0x1] =	stream.indirect.gather [hbm4b:s3+s19], $0x80, s7, s19, $0xb8;
	[tilespmem:$0x10C80] =	vst v63  }
0x1c: {  	s6 =	rddreg [dreg:$0x5]  }
0x1d: {  	[tilespmem:s21], [sflag:$0x2] =	stream.indirect.gather [hbm4b:s3+s19], $0x80, s6, s19, $0xb8;
	[tilespmem:$0x10C80] =	vst v63  }
0x1e: {  	s8 =	rddreg [dreg:$0x6]  }
0x1f: {  	[tilespmem:s22], [sflag:$0x3] =	stream.indirect.gather [hbm4b:s3+s19], $0x80, s8, s19, $0xb8;
	[tilespmem:$0x10C80] =	vst v63  }
0x20: {  	s9 =	rddreg [dreg:$0x7]  }
0x21: {  	[tilespmem:s23], [sflag:$0x4] =	stream.indirect.gather [hbm4b:s3+s19], $0x80, s9, s19, $0xb8;
	[tilespmem:$0x10C80] =	vst v63  }
0x22: {  	_ =	swait.ge [sflag:s24], $0x4000  }
0x23: {  	[sflag:s24] =	ssyncset.done $0x0  }
0x24: {  	[sflag:s24] =	ssyncadd.s32 $0xFFFFC000  }
0x25: {  	[hbm4b:s11+s2] =	stream.linear.scatter [tilespmem:s20], [sflag:$0x5], $0x4000, $0x38;
	[tilespmem:$0x10C80] =	vst v63  }
0x26: {  	_ =	swait.ge [sflag:s18], $0x4000  }
0x27: {  	[sflag:s18] =	ssyncset.done $0x0  }
0x28: {  	[sflag:s18] =	ssyncadd.s32 $0xFFFFC000  }
0x29: {  	[tilespmem:s20], [sflag:$0x1] =	stream.indirect.gather [hbm4b:s3+s19], $0x80, s12, s19, $0xb8;
	[tilespmem:$0x10C80] =	vst v63  }
0x2a: {  	_ =	swait.ge [sflag:s25], $0x4000  }
0x2b: {  	[sflag:s25] =	ssyncset.done $0x0  }
0x2c: {  	[sflag:s25] =	ssyncadd.s32 $0xFFFFC000  }
0x2d: {  	[hbm4b:s13+s2] =	stream.linear.scatter [tilespmem:s21], [sflag:$0x5], $0x4000, $0x38;
	[tilespmem:$0x10C80] =	vst v63  }
0x2e: {  	_ =	swait.ge [sflag:s18], $0x4000  }
0x2f: {  	s1 =	rddreg [dreg:$0x3]  }
0x30: {  	s1 =	sadd.s32 $0x0, s1  }
0x31: {  	s30 =	sadd.s32 $0x280, s1  }
0x32: {  	p0 =	slt.s32 s30, $0x18620  }
0x33: {  	[sflag:s18] =	ssyncset.done $0x0;
	s30 =	simm.s32 @!p0 $0x18620  }
0x34: {  	[sflag:s18] =	ssyncadd.s32 $0xFFFFC000;
	s31 =	ssub.s32 s30, s5  }
0x35: {  	[tilespmem:s21], [sflag:$0x2] =	stream.indirect.gather [hbm4b:s3+s19], $0x80, s31, s19, $0xb8;
	[tilespmem:$0x10C80] =	vst v63  }
0x36: {  	s31 =	sadd.s32 $0x100, s1  }
0x37: {  	p0 =	slt.s32 s31, $0x18620  }
0x38: {  	_ =	swait.ge [sflag:s26], $0x4000;
	s31 =	simm.s32 @!p0 $0x18620  }
0x39: {  	[sflag:s26] =	ssyncset.done $0x0;
	s31 =	sshll.u32 s31, $0x4  }
0x3a: {  	[sflag:s26] =	ssyncadd.s32 $0xFFFFC000;
	s31 =	sadd.s32 s4, s31  }
0x3b: {  	[hbm4b:s31+s2] =	stream.linear.scatter [tilespmem:s22], [sflag:$0x5], $0x4000, $0x38;
	[tilespmem:$0x10C80] =	vst v63  }
0x3c: {  	s31 =	sadd.s32 $0x300, s1  }
0x3d: {  	p0 =	slt.s32 s31, $0x18620;
	_ =	swait.ge [sflag:s18], $0x4000  }
0x3e: {  	s31 =	simm.s32 @!p0 $0x18620;
	[sflag:s18] =	ssyncset.done $0x0  }
0x3f: {  	[sflag:s18] =	ssyncadd.s32 $0xFFFFC000;
	s31 =	ssub.s32 s31, s5  }
0x40: {  	[tilespmem:s22], [sflag:$0x3] =	stream.indirect.gather [hbm4b:s3+s19], $0x80, s31, s19, $0xb8;
	[tilespmem:$0x10C80] =	vst v63  }
0x41: {  	s31 =	sadd.s32 $0x180, s1  }
0x42: {  	p0 =	slt.s32 s31, $0x18620  }
0x43: {  	_ =	swait.ge [sflag:s28], $0x4000;
	s31 =	simm.s32 @!p0 $0x18620  }
0x44: {  	[sflag:s28] =	ssyncset.done $0x0;
	s31 =	sshll.u32 s31, $0x4  }
0x45: {  	[sflag:s28] =	ssyncadd.s32 $0xFFFFC000;
	s31 =	sadd.s32 s4, s31  }
0x46: {  	[hbm4b:s31+s2] =	stream.linear.scatter [tilespmem:s23], [sflag:$0x5], $0x4000, $0x38;
	[tilespmem:$0x10C80] =	vst v63  }
0x47: {  	s31 =	sadd.s32 $0x380, s1  }
0x48: {  	p0 =	slt.s32 s31, $0x18620;
	_ =	swait.ge [sflag:s18], $0x4000  }
0x49: {  	s31 =	simm.s32 @!p0 $0x18620;
	[sflag:s18] =	ssyncset.done $0x0  }
0x4a: {  	[sflag:s18] =	ssyncadd.s32 $0xFFFFC000;
	s31 =	ssub.s32 s31, s5  }
0x4b: {  	[tilespmem:s23], [sflag:$0x4] =	stream.indirect.gather [hbm4b:s3+s19], $0x80, s31, s19, $0xb8;
	[tilespmem:$0x10C80] =	vst v63  }
0x4c: {  	s31 =	sadd.s32 $0x200, s1  }
0x4d: {  	p0 =	slt.s32 s31, $0x18620  }
0x4e: {  	_ =	swait.ge [sflag:s24], $0x4000;
	s31 =	simm.s32 @!p0 $0x18620  }
0x4f: {  	[sflag:s24] =	ssyncset.done $0x0;
	s31 =	sshll.u32 s31, $0x4  }
0x50: {  	s1 =	sadd.s32 $0x400, s1;
	[sflag:s24] =	ssyncadd.s32 $0xFFFFC000;
	s31 =	sadd.s32 s4, s31  }
0x51: {  	[hbm4b:s31+s2] =	stream.linear.scatter [tilespmem:s20], [sflag:$0x5], $0x4000, $0x38;
	[tilespmem:$0x10C80] =	vst v63  }
0x52: {  	p0 =	slt.s32 s1, $0x18620;
	_ =	swait.ge [sflag:s18], $0x4000  }
0x53: {  	s1 =	simm.s32 @!p0 $0x18620;
	[sflag:s18] =	ssyncset.done $0x0  }
0x54: {  	s1 =	ssub.s32 s1, s5;
	[sflag:s18] =	ssyncadd.s32 $0xFFFFC000  }
0x55: {  	[tilespmem:s20], [sflag:$0x1] =	stream.indirect.gather [hbm4b:s3+s19], $0x80, s1, s19, $0xb8;
	[tilespmem:$0x10C80] =	vst v63  }
0x56: {  	_ =	swait.ge [sflag:s25], $0x4000  }
0x57: {  	s10 =	sshll.u32 s30, $0x4;
	[sflag:s25] =	ssyncset.done $0x0  }
0x58: {  	s1 =	sadd.s32 s4, s10;
	[sflag:s25] =	ssyncadd.s32 $0xFFFFC000  }
0x59: {  	[hbm4b:s1+s2] =	stream.linear.scatter [tilespmem:s21], [sflag:$0x5], $0x4000, $0x38;
	[tilespmem:$0x10C80] =	vst v63  }
0x5a: {  	s30 =	simm.s32 $0x200;
	_ =	swait.ge [sflag:s18], $0x4000  }
0x5b: {  	s31 =	simm.s32 $0x400;
	s1 =	rddreg [dreg:$0x3];
	[sflag:s18] =	ssyncset.done $0x0  }
.LBB2_2:
0x5c: {  	s0 =	smov.u32 s31;
	s1 =	sadd.s32 s30, s1  }
0x5d: {  	s30 =	smov.u32 s0;
	s0 =	sadd.s32 $0x280, s1  }
0x5e: {  	p1 =	slt.s32 s0, $0x18620  }
0x5f: {  	s6 =	sadd.s32 $0x100, s1;
	s0 =	simm.s32 @!p1 $0x18620  }
0x60: {  	[sflag:s18] =	ssyncadd.s32 $0xFFFFC000;
	p2 =	slt.s32 s6, $0x18620;
	s10 =	ssub.s32 s0, s5  }
0x61: {  	[tilespmem:s21], [sflag:$0x2] =	stream.indirect.gather [hbm4b:s3+s19], $0x80, s10, s19, $0xb8;
	[tilespmem:$0x10C80] =	vst v63  }
0x62: {  	s6 =	simm.s32 @!p2 $0x18620;
	_ =	swait.ge [sflag:s26], $0x4000  }
0x63: {  	s6 =	sshll.u32 s6, $0x4;
	[sflag:s26] =	ssyncset.done $0x0  }
0x64: {  	s8 =	sadd.s32 $0x300, s1;
	s6 =	sadd.s32 s4, s6;
	[sflag:s26] =	ssyncadd.s32 $0xFFFFC000  }
0x65: {  	[hbm4b:s6+s2] =	stream.linear.scatter [tilespmem:s22], [sflag:$0x5], $0x4000, $0x38;
	[tilespmem:$0x10C80] =	vst v63  }
0x66: {  	p3 =	slt.s32 s8, $0x18620;
	_ =	swait.ge [sflag:s18], $0x4000  }
0x67: {  	s9 =	sadd.s32 $0x180, s1;
	s8 =	simm.s32 @!p3 $0x18620;
	[sflag:s18] =	ssyncset.done $0x0  }
0x68: {  	p1 =	slt.s32 s9, $0x18620;
	s8 =	ssub.s32 s8, s5;
	[sflag:s18] =	ssyncadd.s32 $0xFFFFC000  }
0x69: {  	[tilespmem:s22], [sflag:$0x3] =	stream.indirect.gather [hbm4b:s3+s19], $0x80, s8, s19, $0xb8;
	[tilespmem:$0x10C80] =	vst v63  }
0x6a: {  	s9 =	simm.s32 @!p1 $0x18620;
	_ =	swait.ge [sflag:s28], $0x4000  }
0x6b: {  	s9 =	sshll.u32 s9, $0x4;
	[sflag:s28] =	ssyncset.done $0x0  }
0x6c: {  	s10 =	sadd.s32 $0x380, s1;
	s9 =	sadd.s32 s4, s9;
	[sflag:s28] =	ssyncadd.s32 $0xFFFFC000  }
0x6d: {  	[hbm4b:s9+s2] =	stream.linear.scatter [tilespmem:s23], [sflag:$0x5], $0x4000, $0x38;
	[tilespmem:$0x10C80] =	vst v63  }
0x6e: {  	p1 =	slt.s32 s10, $0x18620;
	_ =	swait.ge [sflag:s18], $0x4000  }
0x6f: {  	s10 =	simm.s32 @!p1 $0x18620;
	s6 =	sadd.s32 $0x200, s1;
	[sflag:s18] =	ssyncset.done $0x0  }
0x70: {  	s10 =	ssub.s32 s10, s5;
	p1 =	slt.s32 s6, $0x18620;
	[sflag:s18] =	ssyncadd.s32 $0xFFFFC000  }
0x71: {  	[tilespmem:s23], [sflag:$0x4] =	stream.indirect.gather [hbm4b:s3+s19], $0x80, s10, s19, $0xb8;
	[tilespmem:$0x10C80] =	vst v63  }
0x72: {  	s6 =	simm.s32 @!p1 $0x18620;
	_ =	swait.ge [sflag:s24], $0x4000  }
0x73: {  	s6 =	sshll.u32 s6, $0x4;
	[sflag:s24] =	ssyncset.done $0x0  }
0x74: {  	s1 =	sadd.s32 $0x400, s1;
	s6 =	sadd.s32 s4, s6;
	[sflag:s24] =	ssyncadd.s32 $0xFFFFC000  }
0x75: {  	[hbm4b:s6+s2] =	stream.linear.scatter [tilespmem:s20], [sflag:$0x5], $0x4000, $0x38;
	[tilespmem:$0x10C80] =	vst v63  }
0x76: {  	p1 =	slt.s32 s1, $0x18620;
	_ =	swait.ge [sflag:s18], $0x4000  }
0x77: {  	s1 =	simm.s32 @!p1 $0x18620;
	[sflag:s18] =	ssyncset.done $0x0  }
0x78: {  	s1 =	ssub.s32 s1, s5;
	[sflag:s18] =	ssyncadd.s32 $0xFFFFC000  }
0x79: {  	[tilespmem:s20], [sflag:$0x1] =	stream.indirect.gather [hbm4b:s3+s19], $0x80, s1, s19, $0xb8;
	[tilespmem:$0x10C80] =	vst v63  }
0x7a: {  	p0 =	sne.s32 s31, $0x800;
	_ =	swait.ge [sflag:s25], $0x4000  }
.Ltmp0:
0x7b: {  	s0 =	sshll.u32 s0, $0x4;
	[sflag:s25] =	ssyncset.done $0x0;
	(pc) =	sbr.rel @p0 .LBB2_2-.Ltmp0, $4  }
0x7c: {  	s0 =	sadd.s32 s4, s0;
	[sflag:s25] =	ssyncadd.s32 $0xFFFFC000  }
0x7d: {  	[hbm4b:s0+s2] =	stream.linear.scatter [tilespmem:s21], [sflag:$0x5], $0x4000, $0x38;
	[tilespmem:$0x10C80] =	vst v63  }
0x7e: {  	_ =	swait.ge [sflag:s18], $0x4000  }
0x7f: {  	s31 =	sadd.s32 $0x200, s31;
	s1 =	rddreg [dreg:$0x3];
	[sflag:s18] =	ssyncset.done $0x0  }
0x80: {  	s0 =	sadd.s32 s30, s1  }
0x81: {  	s1 =	sadd.s32 $0x280, s0  }
0x82: {  	p0 =	slt.s32 s1, $0x18620  }
0x83: {  	s6 =	sadd.s32 $0x100, s0;
	s1 =	simm.s32 @!p0 $0x18620  }
0x84: {  	[sflag:s18] =	ssyncadd.s32 $0xFFFFC000;
	p0 =	slt.s32 s6, $0x18620;
	s8 =	ssub.s32 s1, s5  }
0x85: {  	[tilespmem:s21], [sflag:$0x2] =	stream.indirect.gather [hbm4b:s3+s19], $0x80, s8, s19, $0xb8;
	[tilespmem:$0x10C80] =	vst v63  }
0x86: {  	s6 =	simm.s32 @!p0 $0x18620;
	_ =	swait.ge [sflag:s26], $0x4000  }
0x87: {  	s6 =	sshll.u32 s6, $0x4;
	[sflag:s26] =	ssyncset.done $0x0  }
0x88: {  	s8 =	sadd.s32 $0x300, s0;
	s6 =	sadd.s32 s4, s6;
	[sflag:s26] =	ssyncadd.s32 $0xFFFFC000  }
0x89: {  	[hbm4b:s6+s2] =	stream.linear.scatter [tilespmem:s22], [sflag:$0x5], $0x4000, $0x38;
	[tilespmem:$0x10C80] =	vst v63  }
0x8a: {  	p0 =	slt.s32 s8, $0x18620;
	_ =	swait.ge [sflag:s18], $0x4000  }
0x8b: {  	s8 =	simm.s32 @!p0 $0x18620;
	s6 =	sadd.s32 $0x180, s0;
	[sflag:s18] =	ssyncset.done $0x0  }
0x8c: {  	s8 =	ssub.s32 s8, s5;
	p0 =	slt.s32 s6, $0x18620;
	[sflag:s18] =	ssyncadd.s32 $0xFFFFC000  }
0x8d: {  	[tilespmem:s22], [sflag:$0x3] =	stream.indirect.gather [hbm4b:s3+s19], $0x80, s8, s19, $0xb8;
	[tilespmem:$0x10C80] =	vst v63  }
0x8e: {  	s6 =	simm.s32 @!p0 $0x18620;
	_ =	swait.ge [sflag:s28], $0x4000  }
0x8f: {  	s6 =	sshll.u32 s6, $0x4;
	[sflag:s28] =	ssyncset.done $0x0  }
0x90: {  	s8 =	sadd.s32 $0x380, s0;
	s6 =	sadd.s32 s4, s6;
	[sflag:s28] =	ssyncadd.s32 $0xFFFFC000  }
0x91: {  	[hbm4b:s6+s2] =	stream.linear.scatter [tilespmem:s23], [sflag:$0x5], $0x4000, $0x38;
	[tilespmem:$0x10C80] =	vst v63  }
0x92: {  	p0 =	slt.s32 s8, $0x18620;
	_ =	swait.ge [sflag:s18], $0x4000  }
0x93: {  	s8 =	simm.s32 @!p0 $0x18620;
	s6 =	sadd.s32 $0x200, s0;
	[sflag:s18] =	ssyncset.done $0x0  }
0x94: {  	s8 =	ssub.s32 s8, s5;
	p0 =	slt.s32 s6, $0x18620;
	[sflag:s18] =	ssyncadd.s32 $0xFFFFC000  }
0x95: {  	[tilespmem:s23], [sflag:$0x4] =	stream.indirect.gather [hbm4b:s3+s19], $0x80, s8, s19, $0xb8;
	[tilespmem:$0x10C80] =	vst v63  }
0x96: {  	s6 =	simm.s32 @!p0 $0x18620;
	_ =	swait.ge [sflag:s24], $0x4000  }
0x97: {  	s6 =	sshll.u32 s6, $0x4;
	[sflag:s24] =	ssyncset.done $0x0  }
0x98: {  	s0 =	sadd.s32 $0x400, s0;
	s6 =	sadd.s32 s4, s6;
	[sflag:s24] =	ssyncadd.s32 $0xFFFFC000  }
0x99: {  	[hbm4b:s6+s2] =	stream.linear.scatter [tilespmem:s20], [sflag:$0x5], $0x4000, $0x38;
	[tilespmem:$0x10C80] =	vst v63  }
0x9a: {  	p0 =	slt.s32 s0, $0x18620;
	_ =	swait.ge [sflag:s18], $0x4000  }
0x9b: {  	s0 =	simm.s32 @!p0 $0x18620;
	[sflag:s18] =	ssyncset.done $0x0  }
0x9c: {  	s0 =	ssub.s32 s0, s5;
	[sflag:s18] =	ssyncadd.s32 $0xFFFFC000  }
0x9d: {  	[tilespmem:s20], [sflag:$0x1] =	stream.indirect.gather [hbm4b:s3+s19], $0x80, s0, s19, $0xb8;
	[tilespmem:$0x10C80] =	vst v63  }
0x9e: {  	_ =	swait.ge [sflag:s25], $0x4000  }
0x9f: {  	s31 =	sshll.u32 s1, $0x4;
	[sflag:s25] =	ssyncset.done $0x0  }
0xa0: {  	s0 =	sadd.s32 s4, s31;
	[sflag:s25] =	ssyncadd.s32 $0xFFFFC000  }
0xa1: {  	[hbm4b:s0+s2] =	stream.linear.scatter [tilespmem:s21], [sflag:$0x5], $0x4000, $0x38;
	[tilespmem:$0x10C80] =	vst v63  }
0xa2: {  	_ =	swait.ge [sflag:s18], $0x4000  }
0xa3: {  	[sflag:s18] =	ssyncset.done $0x0  }
0xa4: {  	[sflag:s18] =	ssyncadd.s32 $0xFFFFC000  }
0xa5: {  	_ =	swait.ge [sflag:s26], $0x4000  }
0xa6: {  	[sflag:s26] =	ssyncset.done $0x0  }
0xa7: {  	[sflag:s26] =	ssyncadd.s32 $0xFFFFC000  }
0xa8: {  	[hbm4b:s14+s2] =	stream.linear.scatter [tilespmem:s22], [sflag:$0x5], $0x4000, $0x38;
	[tilespmem:$0x10C80] =	vst v63  }
0xa9: {  	_ =	swait.ge [sflag:s18], $0x4000  }
0xaa: {  	[sflag:s18] =	ssyncset.done $0x0  }
0xab: {  	[sflag:s18] =	ssyncadd.s32 $0xFFFFC000  }
0xac: {  	_ =	swait.ge [sflag:s28], $0x4000  }
0xad: {  	[sflag:s28] =	ssyncset.done $0x0  }
0xae: {  	[sflag:s28] =	ssyncadd.s32 $0xFFFFC000  }
0xaf: {  	[hbm4b:s15+s2] =	stream.linear.scatter [tilespmem:s23], [sflag:$0x5], $0x4000, $0x38;
	[tilespmem:$0x10C80] =	vst v63  }
0xb0: {  	_ =	swait.ge [sflag:s18], $0x4000  }
0xb1: {  	[sflag:s18] =	ssyncset.done $0x0  }
0xb2: {  	[sflag:s18] =	ssyncadd.s32 $0xFFFFC000  }
0xb3: {  	s29 =	sadd.s32 $0x1, s29;
	_ =	swait.ge [sflag:s24], $0x4000  }
0xb4: {  	p0 =	sne.s32 s29, s17;
	[sflag:s24] =	ssyncset.done $0x0  }
.Ltmp1:
0xb5: {  	[sflag:s24] =	ssyncadd.s32 $0xFFFFC000;
	(pc) =	sbr.rel @p0 .LBB2_1-.Ltmp1, $4  }
0xb6: {  	[hbm4b:s16+s2] =	stream.linear.scatter [tilespmem:s20], [sflag:$0x5], $0x4000, $0x38;
	[tilespmem:$0x10C80] =	vst v63  }
0xb7: {  	_ =	swait.ge [sflag:s18], $0x4000  }
0xb8: {  	[sflag:s18] =	ssyncset.done $0x0  }
0xb9: {  	[sflag:s18] =	ssyncadd.s32 $0xFFFFC000  }
0xba: {  	_ =	sfence.sel $0x180000  }
0xbb: {  	[bflag:$0x0] =	sbarrier.arrive $0xFFFF  }
0xbc: {  	_ =	strace $0x90000047  }
0xbd: {  	s0 =	stileid.u32;
	[bflag:$0x2] =	sbarrier.arrive $0xFFFF  }
0xbe: {  	p0 =	sne.s32 s0, $0x0;
	s0 =	rddreg [dreg:$0x2]  }
0xbf: {  	s0 =	sadd.s32 @!p0 $0x100000, s0  }
0xc0: {  	[sflag:s0] =	ssyncadd.tile.s32 @!p0 $0x1;
	_ =	shalt  }
.Lfunc_end2:
_tile_overlayer_lowered:
.L_overlay_start_2:
0xc1: {  	(tag) =	ssettag $0x2  }
0xc2: {  	s0 =	rddreg [dreg:$0x0];
	s2 =	stileid.u32  }
0xc3: {  	s1 =	rddreg [dreg:$0x1];
	p0 =	sne.s32 s2, $0x0  }
0xc4: {  	s3 =	rddreg [dreg:$0x2];
	[bflag:$0x3] =	sbarrier.arrive $0xFFFF;
	s2 =	simm.s32 @!p0 $0x1C05  }
0xc5: {  	[timem:s3], [sflag:s2] =	dma.local @!p0 [hbm:s0], s1  }
0xc6: {  	s0 =	simm.s32 @!p0 $0x5  }
0xc7: {  	_ =	swait.ge @!p0 [sflag:s0], s1  }
0xc8: {  	s1 =	ssub.s32 @!p0 $0x0, s1;
	[sflag:s0] =	ssyncset.done @!p0 $0x0  }
0xc9: {  	[sflag:s0] =	ssyncadd.s32 @!p0 s1  }
0xca: {  	[bflag:$0x3] =	sbarrier.arrive $0xFFFF  }
0xcb: {  	_ =	shalt  }

</sc_bundles>
